<compile_context>
chip_gen: v7x
topology: tpu7x:2x2x1
jax: 0.10.2.dev20260603
libtpu: 0.0.44.dev20260713+nightly
codegen_flags: <defaults>
</compile_context>

<pallas_src>
import functools

import jax
import jax.numpy as jnp
from jax import lax
from jax.experimental import pallas as pl
from jax.experimental.pallas import tpu as pltpu
from jax.experimental.pallas import tpu_sc as plsc

_B = 16384
_D = 64
_MOM = 0.95
_NCLS = 1000000
_WG = 16

_NC = 2
_NS = 16
_NW = _NC * _NS
_BPW = _B // _NW
_CH = 128
_NCH = _BPW // _CH

_IB = 1024
_JB = 2048


def _sc_gather(cidx2d, widx2d, centers128, pcwpad):
    mesh = plsc.VectorSubcoreMesh(core_axis_name="c", subcore_axis_name="s")

    @functools.partial(
        pl.kernel,
        mesh=mesh,
        out_type=[
            jax.ShapeDtypeStruct((_B, 128), jnp.float32),
            jax.ShapeDtypeStruct((_B, 128), jnp.float32),
        ],
        scratch_types=[
            pltpu.VMEM((_NCH, _CH), jnp.int32),
            pltpu.VMEM((_NCH, _CH), jnp.int32),
            pltpu.VMEM((_NCH, _CH, 128), jnp.float32),
            pltpu.VMEM((_CH, 128), jnp.float32),
            pltpu.SemaphoreType.DMA,
            pltpu.SemaphoreType.DMA,
        ],
    )
    def k(cidx_hbm, widx_hbm, centers_hbm, pcw_hbm, cy_hbm, wg_hbm,
          idx_v, widx_v, rows_v, w_v, sem_c, sem_w):
        wid = lax.axis_index("s") * _NC + lax.axis_index("c")
        base_row = wid * _NCH
        pltpu.sync_copy(cidx_hbm.at[pl.ds(base_row, _NCH)], idx_v)
        pltpu.sync_copy(widx_hbm.at[pl.ds(base_row, _NCH)], widx_v)
        copies = []
        for c in range(_NCH):
            copies.append(pltpu.async_copy(
                centers_hbm.at[idx_v.at[c]], rows_v.at[c], sem_c))
        for cp in copies:
            cp.wait()
        for c in range(_NCH):
            off = wid * _BPW + c * _CH
            pltpu.sync_copy(rows_v.at[c], cy_hbm.at[pl.ds(off, _CH)])
        for c in range(_NCH):
            off = wid * _BPW + c * _CH
            pltpu.async_copy(pcw_hbm.at[widx_v.at[c]], w_v, sem_w).wait()
            pltpu.sync_copy(w_v, wg_hbm.at[pl.ds(off, _CH)])

    return k(cidx2d, widx2d, centers128, pcwpad)


def _tc_stats_body(lrow_lo_ref, lrow_hi_ref, fa_ref, lcol_lo_ref,
                   lcol_hi_ref, mu_ref):
    li_lo = lcol_lo_ref[...]
    li_hi = lcol_hi_ref[...]

    def jstep(jc, acc):
        lj_lo = lrow_lo_ref[0:1, pl.ds(jc * _JB, _JB)]
        lj_hi = lrow_hi_ref[0:1, pl.ds(jc * _JB, _JB)]
        fj = fa_ref[pl.ds(jc * _JB, _JB), :]
        eq = (li_lo == lj_lo) & (li_hi == lj_hi)
        e = jnp.where(eq, jnp.bfloat16(1.0), jnp.bfloat16(0.0))
        return acc + jax.lax.dot(e, fj, preferred_element_type=jnp.float32)

    acc = lax.fori_loop(0, _B // _JB, jstep,
                        jnp.zeros((_IB, _D + 1), jnp.float32))
    sums = acc[:, :_D]
    counts = acc[:, _D:]
    mu_ref[...] = sums / counts


def _tc_stats(feats_aug, lrow_lo, lrow_hi, lcol_lo, lcol_hi):
    grid = (_B // _IB,)
    return pl.pallas_call(
        _tc_stats_body,
        grid=grid,
        in_specs=[
            pl.BlockSpec((1, _B), lambda i: (0, 0)),
            pl.BlockSpec((1, _B), lambda i: (0, 0)),
            pl.BlockSpec((_B, _D + 1), lambda i: (0, 0)),
            pl.BlockSpec((_IB, 1), lambda i: (i, 0)),
            pl.BlockSpec((_IB, 1), lambda i: (i, 0)),
        ],
        out_specs=pl.BlockSpec((_IB, _D), lambda i: (i, 0)),
        out_shape=jax.ShapeDtypeStruct((_B, _D), jnp.float32),
    )(lrow_lo, lrow_hi, feats_aug, lcol_lo, lcol_hi)


_FB = 4096


_RB = 5000
_HALF = _NCLS // 2


def _compact_body(hbm_ref, out_ref, va, vb, sems):
    i = pl.program_id(0)
    nsteps = _HALF // _RB

    def start(j, slot):
        pltpu.make_async_copy(
            hbm_ref.at[pl.ds(j * _RB, _RB), :],
            va.at[slot], sems.at[0, slot]).start()
        pltpu.make_async_copy(
            hbm_ref.at[pl.ds(_HALF + j * _RB, _RB), :],
            vb.at[slot], sems.at[1, slot]).start()

    def wait(j, slot):
        pltpu.make_async_copy(
            hbm_ref.at[pl.ds(j * _RB, _RB), :],
            va.at[slot], sems.at[0, slot]).wait()
        pltpu.make_async_copy(
            hbm_ref.at[pl.ds(_HALF + j * _RB, _RB), :],
            vb.at[slot], sems.at[1, slot]).wait()

    @pl.when(i == 0)
    def _():
        start(0, 0)

    slot = lax.rem(i, 2)

    @pl.when(i + 1 < nsteps)
    def _():
        start(i + 1, lax.rem(i + 1, 2))

    wait(i, slot)

    @pl.when(slot == 0)
    def _():
        out_ref[...] = jnp.concatenate([va[0], vb[0]], axis=1)

    @pl.when(slot == 1)
    def _():
        out_ref[...] = jnp.concatenate([va[1], vb[1]], axis=1)


def _compact(centers):
    nsteps = _HALF // _RB
    return pl.pallas_call(
        _compact_body,
        grid=(nsteps,),
        in_specs=[pl.BlockSpec(memory_space=pltpu.MemorySpace.HBM)],
        out_specs=pl.BlockSpec((_RB, 128), lambda i: (i, 0)),
        out_shape=jax.ShapeDtypeStruct((_HALF, 128), jnp.float32),
        scratch_shapes=[
            pltpu.VMEM((2, _RB, _D), jnp.float32),
            pltpu.VMEM((2, _RB, _D), jnp.float32),
            pltpu.SemaphoreType.DMA((2, 2)),
        ],
    )(centers)


def _tc_final_body(f_ref, mu_ref, cy_ref, wg_ref, lmod2_ref, lmodw_ref,
                   out_ref):
    i = pl.program_id(0)
    cy = cy_ref[...]
    half = jnp.where(lmod2_ref[...] == 0, cy[:, :_D], cy[:, _D:])
    newc = _MOM * half + (1.0 - _MOM) * mu_ref[...]
    diff = f_ref[...] - newc
    d2 = jnp.sum(diff * diff, axis=1, keepdims=True)
    lane = lax.broadcasted_iota(jnp.int32, (_FB, 128), 1)
    wsel = jnp.where(lmodw_ref[...] == lane, wg_ref[...], 0.0)
    w = jnp.sum(wsel, axis=1, keepdims=True)
    part = jnp.sum(d2 * w) * (1.0 / _B)

    @pl.when(i == 0)
    def _():
        out_ref[...] = jnp.zeros((1, 1), jnp.float32)

    out_ref[...] = out_ref[...] + jnp.full((1, 1), part, jnp.float32)


def _tc_final(feats, mu, cy, wg, lmod2_col, lmodw_col):
    return pl.pallas_call(
        _tc_final_body,
        grid=(_B // _FB,),
        in_specs=[
            pl.BlockSpec((_FB, _D), lambda i: (i, 0)),
            pl.BlockSpec((_FB, _D), lambda i: (i, 0)),
            pl.BlockSpec((_FB, 128), lambda i: (i, 0)),
            pl.BlockSpec((_FB, 128), lambda i: (i, 0)),
            pl.BlockSpec((_FB, 1), lambda i: (i, 0)),
            pl.BlockSpec((_FB, 1), lambda i: (i, 0)),
        ],
        out_specs=pl.BlockSpec((1, 1), lambda i: (0, 0)),
        out_shape=jax.ShapeDtypeStruct((1, 1), jnp.float32),
    )(feats, mu, cy, wg, lmod2_col, lmodw_col)


def kernel(feats, labels, per_class_weight, centers):
    labels = labels.astype(jnp.int32)
    feats_aug = jnp.concatenate(
        [feats, jnp.ones((_B, 1), jnp.float32)], axis=1).astype(jnp.bfloat16)
    lab_lo = (labels & 0xFFFF).astype(jnp.int16)
    lab_hi = (labels >> 16).astype(jnp.int16)
    mu = _tc_stats(feats_aug,
                   lab_lo.reshape(1, _B), lab_hi.reshape(1, _B),
                   lab_lo.reshape(_B, 1), lab_hi.reshape(_B, 1))

    centers128 = _compact(centers)
    cidx2d = (labels % _HALF).reshape(_B // _CH, _CH)
    widx2d = (labels // 128).reshape(_B // _CH, _CH)
    pcwpad = jnp.pad(per_class_weight,
                     (0, 7813 * 128 - _NCLS)).reshape(7813, 128)
    cy, wg = _sc_gather(cidx2d, widx2d, centers128, pcwpad)

    lmod2_col = (labels // _HALF).reshape(_B, 1)
    lmodw_col = (labels % 128).reshape(_B, 1)
    loss = _tc_final(feats, mu, cy, wg, lmod2_col, lmodw_col)
    return loss.reshape(())

# --- scband reference (transcript-rebuilt; emitter-appended) ---
"""Pipeline reference for scband-prototype-centers-87222195847252 (READ-ONLY COPY).

The authoritative reference and input builder live on the scoring server;
editing this copy changes nothing except your own understanding.
"""

import jax, jax.numpy as jnp
import numpy as np

NUM_CLASSES = 1000000
FEAT_DIM = 64
MOMENTUM = 0.95
BATCH = 16384


def setup_inputs(seed: int = 0) -> dict:
    key = jax.random.key(seed)
    k1, k2, k3, k4 = jax.random.split(key, 4)
    feats = jax.random.normal(k1, (BATCH, FEAT_DIM), dtype=jnp.float32)
    labels = jax.random.randint(k2, (BATCH,), 0, NUM_CLASSES, dtype=jnp.int32)
    per_class_weight = jax.random.uniform(k3, (NUM_CLASSES,), dtype=jnp.float32)
    # centers buffer (registered buffer, zeros in torch; use small randn for a non-degenerate state)
    centers = jax.random.normal(k4, (NUM_CLASSES, FEAT_DIM), dtype=jnp.float32) * 0.02
    return {"feats": feats, "labels": labels, "per_class_weight": per_class_weight, "centers": centers}


def reference(feats, labels, per_class_weight, centers):
    # --- update() (@torch.no_grad): EMA scatter update of class centers ---
    ones = jnp.ones((labels.shape[0],), dtype=feats.dtype)
    counts = jax.ops.segment_sum(ones, labels, num_segments=NUM_CLASSES)
    sums = jax.ops.segment_sum(feats, labels, num_segments=NUM_CLASSES)
    means = sums / jnp.maximum(counts, 1.0)[:, None]
    present = (counts > 0)[:, None]
    new_centers = jnp.where(present, MOMENTUM * centers + (1.0 - MOMENTUM) * means, centers)
    new_centers = jax.lax.stop_gradient(new_centers)
    # --- center_loss(): gather center rows, squared distance, weighted mean ---
    cy = jnp.take(new_centers, labels, axis=0)
    d2 = jnp.sum((feats - cy) ** 2, axis=1)
    w = jnp.take(per_class_weight, labels, axis=0)
    loss = jnp.mean(d2 * w)
    return loss

if __name__ == "__main__":
    import jax
    _d = setup_inputs()
    print(jax.jit(kernel)(*tuple(_d.values())))

</pallas_src>

<mosaic_0001>
#map = affine_map<(d0, d1) -> (0, 0)>
module attributes {stable_mosaic.version = 14 : i64} {
  func.func @k(%arg0: i32, %arg1: i32, %arg2: memref<128x128xi32, #tpu.memory_space<hbm>>, %arg3: memref<128x128xi32, #tpu.memory_space<hbm>>, %arg4: memref<500000x128xf32, #tpu.memory_space<hbm>>, %arg5: memref<7813x128xf32, #tpu.memory_space<hbm>>, %arg6: memref<16384x128xf32, #tpu.memory_space<hbm>>, %arg7: memref<16384x128xf32, #tpu.memory_space<hbm>>, %arg8: memref<4x128xi32, #tpu.memory_space<vmem>>, %arg9: memref<4x128xi32, #tpu.memory_space<vmem>>, %arg10: memref<4x128x128xf32, #tpu.memory_space<vmem>>, %arg11: memref<128x128xf32, #tpu.memory_space<vmem>>, %arg12: memref<!tpu.dma_semaphore, #tpu.memory_space<semaphore_mem>>, %arg13: memref<!tpu.dma_semaphore, #tpu.memory_space<semaphore_mem>>) attributes {dimension_semantics = [#tpu.dimension_semantics<core_parallel>, #tpu.dimension_semantics<subcore_parallel>], iteration_bounds = array<i64: 2, 16>, scalar_prefetch = 0 : i64, scratch_operands = 6 : i64, tpu.core_type = #tpu.core_type<sc_vector_subcore>, window_params = [{transform_indices = #map}, {transform_indices = #map}, {transform_indices = #map}, {transform_indices = #map}, {transform_indices = #map}, {transform_indices = #map}]} {
    %mul3A = arith.constant 2 : i32
    %mul3A_0 = arith.muli %arg1, %mul3A : i32
    %add3A = arith.addi %mul3A_0, %arg0 : i32
    %mul3A_1 = arith.constant 4 : i32
    %mul3A_2 = arith.muli %add3A, %mul3A_1 : i32
    "tpu.region"() ({
      %run_scoped3A_188 = tpu.sem_alloc : memref<!tpu.dma_semaphore, #tpu.memory_space<semaphore_mem>>
      %dma_start3A_189 = arith.constant 0 : i32
      %dma_start3A_190 = tpu.memref_slice %arg2[%mul3A_2, %dma_start3A_189] : memref<128x128xi32, #tpu.memory_space<hbm>> -> memref<4x128xi32, #tpu.memory_space<hbm>>
      %dma_start3A_191 = arith.constant 0 : i32
      %dma_start3A_192 = tpu.memref_slice %arg2[%mul3A_2, %dma_start3A_191] : memref<128x128xi32, #tpu.memory_space<hbm>> -> memref<4x128xi32, #tpu.memory_space<hbm>>
      tpu.enqueue_dma source(%dma_start3A_192 : memref<4x128xi32, #tpu.memory_space<hbm>>) target(%arg8 : memref<4x128xi32, #tpu.memory_space<vmem>>) target_semaphore(%run_scoped3A_188 : memref<!tpu.dma_semaphore, #tpu.memory_space<semaphore_mem>>)
      %dma_wait3A_193 = arith.constant 0 : i32
      %dma_wait3A_194 = tpu.memref_slice %arg2[%mul3A_2, %dma_wait3A_193] : memref<128x128xi32, #tpu.memory_space<hbm>> -> memref<4x128xi32, #tpu.memory_space<hbm>>
      %dma_wait3A_195 = arith.constant 0 : i32
      %dma_wait3A_196 = tpu.memref_slice %arg2[%mul3A_2, %dma_wait3A_195] : memref<128x128xi32, #tpu.memory_space<hbm>> -> memref<4x128xi32, #tpu.memory_space<hbm>>
      tpu.wait_dma2 semaphore(%run_scoped3A_188 : memref<!tpu.dma_semaphore, #tpu.memory_space<semaphore_mem>>) src(%dma_wait3A_196 : memref<4x128xi32, #tpu.memory_space<hbm>>) dst(%arg8 : memref<4x128xi32, #tpu.memory_space<vmem>>)
      tpu.yield
    }) : () -> ()
    "tpu.region"() ({
      %run_scoped3A_188 = tpu.sem_alloc : memref<!tpu.dma_semaphore, #tpu.memory_space<semaphore_mem>>
      %dma_start3A_189 = arith.constant 0 : i32
      %dma_start3A_190 = tpu.memref_slice %arg3[%mul3A_2, %dma_start3A_189] : memref<128x128xi32, #tpu.memory_space<hbm>> -> memref<4x128xi32, #tpu.memory_space<hbm>>
      %dma_start3A_191 = arith.constant 0 : i32
      %dma_start3A_192 = tpu.memref_slice %arg3[%mul3A_2, %dma_start3A_191] : memref<128x128xi32, #tpu.memory_space<hbm>> -> memref<4x128xi32, #tpu.memory_space<hbm>>
      tpu.enqueue_dma source(%dma_start3A_192 : memref<4x128xi32, #tpu.memory_space<hbm>>) target(%arg9 : memref<4x128xi32, #tpu.memory_space<vmem>>) target_semaphore(%run_scoped3A_188 : memref<!tpu.dma_semaphore, #tpu.memory_space<semaphore_mem>>)
      %dma_wait3A_193 = arith.constant 0 : i32
      %dma_wait3A_194 = tpu.memref_slice %arg3[%mul3A_2, %dma_wait3A_193] : memref<128x128xi32, #tpu.memory_space<hbm>> -> memref<4x128xi32, #tpu.memory_space<hbm>>
      %dma_wait3A_195 = arith.constant 0 : i32
      %dma_wait3A_196 = tpu.memref_slice %arg3[%mul3A_2, %dma_wait3A_195] : memref<128x128xi32, #tpu.memory_space<hbm>> -> memref<4x128xi32, #tpu.memory_space<hbm>>
      tpu.wait_dma2 semaphore(%run_scoped3A_188 : memref<!tpu.dma_semaphore, #tpu.memory_space<semaphore_mem>>) src(%dma_wait3A_196 : memref<4x128xi32, #tpu.memory_space<hbm>>) dst(%arg9 : memref<4x128xi32, #tpu.memory_space<vmem>>)
      tpu.yield
    }) : () -> ()
    %dma_start3A = arith.constant 0 : i32
    %dma_start3A_3 = arith.constant 0 : i32
    %dma_start3A_4 = arith.constant 0 : i32
    %dma_start3A_5 = arith.constant 0 : i32
    %dma_start3A_6 = tpu.memref_slice %arg10[%dma_start3A_3, %dma_start3A_4, %dma_start3A_5] : memref<4x128x128xf32, #tpu.memory_space<vmem>> -> memref<1x128x128xf32, #tpu.memory_space<vmem>>
    %dma_start3A_7 = tpu.memref_squeeze %dma_start3A_6 : memref<1x128x128xf32, #tpu.memory_space<vmem>> -> memref<128x128xf32, #tpu.memory_space<vmem>>
    %dma_start3A_8 = arith.constant 0 : i32
    %dma_start3A_9 = tpu.memref_slice %arg8[%dma_start3A, %dma_start3A_8] : memref<4x128xi32, #tpu.memory_space<vmem>> -> memref<1x128xi32, #tpu.memory_space<vmem>>
    %dma_start3A_10 = tpu.memref_squeeze %dma_start3A_9 : memref<1x128xi32, #tpu.memory_space<vmem>> -> memref<128xi32, #tpu.memory_space<vmem>>
    %dma_start3A_11 = arith.constant 0 : i32
    %dma_start3A_12 = arith.constant 0 : i32
    %dma_start3A_13 = tpu.memref_slice %arg4[%dma_start3A_11, %dma_start3A_12] : memref<500000x128xf32, #tpu.memory_space<hbm>> -> memref<500000x128xf32, #tpu.memory_space<hbm>>
    tpu.enqueue_indirect_dma source(%dma_start3A_13 : memref<500000x128xf32, #tpu.memory_space<hbm>>) target(%dma_start3A_7 : memref<128x128xf32, #tpu.memory_space<vmem>>) offsets(%dma_start3A_10 : memref<128xi32, #tpu.memory_space<vmem>>) semaphore(%arg12 : memref<!tpu.dma_semaphore, #tpu.memory_space<semaphore_mem>>)
    %dma_start3A_14 = arith.constant 1 : i32
    %dma_start3A_15 = arith.constant 1 : i32
    %dma_start3A_16 = arith.constant 0 : i32
    %dma_start3A_17 = arith.constant 0 : i32
    %dma_start3A_18 = tpu.memref_slice %arg10[%dma_start3A_15, %dma_start3A_16, %dma_start3A_17] : memref<4x128x128xf32, #tpu.memory_space<vmem>> -> memref<1x128x128xf32, #tpu.memory_space<vmem>>
    %dma_start3A_19 = tpu.memref_squeeze %dma_start3A_18 : memref<1x128x128xf32, #tpu.memory_space<vmem>> -> memref<128x128xf32, #tpu.memory_space<vmem>>
    %dma_start3A_20 = arith.constant 0 : i32
    %dma_start3A_21 = tpu.memref_slice %arg8[%dma_start3A_14, %dma_start3A_20] : memref<4x128xi32, #tpu.memory_space<vmem>> -> memref<1x128xi32, #tpu.memory_space<vmem>>
    %dma_start3A_22 = tpu.memref_squeeze %dma_start3A_21 : memref<1x128xi32, #tpu.memory_space<vmem>> -> memref<128xi32, #tpu.memory_space<vmem>>
    %dma_start3A_23 = arith.constant 0 : i32
    %dma_start3A_24 = arith.constant 0 : i32
    %dma_start3A_25 = tpu.memref_slice %arg4[%dma_start3A_23, %dma_start3A_24] : memref<500000x128xf32, #tpu.memory_space<hbm>> -> memref<500000x128xf32, #tpu.memory_space<hbm>>
    tpu.enqueue_indirect_dma source(%dma_start3A_25 : memref<500000x128xf32, #tpu.memory_space<hbm>>) target(%dma_start3A_19 : memref<128x128xf32, #tpu.memory_space<vmem>>) offsets(%dma_start3A_22 : memref<128xi32, #tpu.memory_space<vmem>>) semaphore(%arg12 : memref<!tpu.dma_semaphore, #tpu.memory_space<semaphore_mem>>)
    %dma_start3A_26 = arith.constant 2 : i32
    %dma_start3A_27 = arith.constant 2 : i32
    %dma_start3A_28 = arith.constant 0 : i32
    %dma_start3A_29 = arith.constant 0 : i32
    %dma_start3A_30 = tpu.memref_slice %arg10[%dma_start3A_27, %dma_start3A_28, %dma_start3A_29] : memref<4x128x128xf32, #tpu.memory_space<vmem>> -> memref<1x128x128xf32, #tpu.memory_space<vmem>>
    %dma_start3A_31 = tpu.memref_squeeze %dma_start3A_30 : memref<1x128x128xf32, #tpu.memory_space<vmem>> -> memref<128x128xf32, #tpu.memory_space<vmem>>
    %dma_start3A_32 = arith.constant 0 : i32
    %dma_start3A_33 = tpu.memref_slice %arg8[%dma_start3A_26, %dma_start3A_32] : memref<4x128xi32, #tpu.memory_space<vmem>> -> memref<1x128xi32, #tpu.memory_space<vmem>>
    %dma_start3A_34 = tpu.memref_squeeze %dma_start3A_33 : memref<1x128xi32, #tpu.memory_space<vmem>> -> memref<128xi32, #tpu.memory_space<vmem>>
    %dma_start3A_35 = arith.constant 0 : i32
    %dma_start3A_36 = arith.constant 0 : i32
    %dma_start3A_37 = tpu.memref_slice %arg4[%dma_start3A_35, %dma_start3A_36] : memref<500000x128xf32, #tpu.memory_space<hbm>> -> memref<500000x128xf32, #tpu.memory_space<hbm>>
    tpu.enqueue_indirect_dma source(%dma_start3A_37 : memref<500000x128xf32, #tpu.memory_space<hbm>>) target(%dma_start3A_31 : memref<128x128xf32, #tpu.memory_space<vmem>>) offsets(%dma_start3A_34 : memref<128xi32, #tpu.memory_space<vmem>>) semaphore(%arg12 : memref<!tpu.dma_semaphore, #tpu.memory_space<semaphore_mem>>)
    %dma_start3A_38 = arith.constant 3 : i32
    %dma_start3A_39 = arith.constant 3 : i32
    %dma_start3A_40 = arith.constant 0 : i32
    %dma_start3A_41 = arith.constant 0 : i32
    %dma_start3A_42 = tpu.memref_slice %arg10[%dma_start3A_39, %dma_start3A_40, %dma_start3A_41] : memref<4x128x128xf32, #tpu.memory_space<vmem>> -> memref<1x128x128xf32, #tpu.memory_space<vmem>>
    %dma_start3A_43 = tpu.memref_squeeze %dma_start3A_42 : memref<1x128x128xf32, #tpu.memory_space<vmem>> -> memref<128x128xf32, #tpu.memory_space<vmem>>
    %dma_start3A_44 = arith.constant 0 : i32
    %dma_start3A_45 = tpu.memref_slice %arg8[%dma_start3A_38, %dma_start3A_44] : memref<4x128xi32, #tpu.memory_space<vmem>> -> memref<1x128xi32, #tpu.memory_space<vmem>>
    %dma_start3A_46 = tpu.memref_squeeze %dma_start3A_45 : memref<1x128xi32, #tpu.memory_space<vmem>> -> memref<128xi32, #tpu.memory_space<vmem>>
    %dma_start3A_47 = arith.constant 0 : i32
    %dma_start3A_48 = arith.constant 0 : i32
    %dma_start3A_49 = tpu.memref_slice %arg4[%dma_start3A_47, %dma_start3A_48] : memref<500000x128xf32, #tpu.memory_space<hbm>> -> memref<500000x128xf32, #tpu.memory_space<hbm>>
    tpu.enqueue_indirect_dma source(%dma_start3A_49 : memref<500000x128xf32, #tpu.memory_space<hbm>>) target(%dma_start3A_43 : memref<128x128xf32, #tpu.memory_space<vmem>>) offsets(%dma_start3A_46 : memref<128xi32, #tpu.memory_space<vmem>>) semaphore(%arg12 : memref<!tpu.dma_semaphore, #tpu.memory_space<semaphore_mem>>)
    %dma_wait3A = arith.constant 0 : i32
    %dma_wait3A_50 = arith.constant 0 : i32
    %dma_wait3A_51 = arith.constant 0 : i32
    %dma_wait3A_52 = arith.constant 0 : i32
    %dma_wait3A_53 = tpu.memref_slice %arg10[%dma_wait3A_50, %dma_wait3A_51, %dma_wait3A_52] : memref<4x128x128xf32, #tpu.memory_space<vmem>> -> memref<1x128x128xf32, #tpu.memory_space<vmem>>
    %dma_wait3A_54 = tpu.memref_squeeze %dma_wait3A_53 : memref<1x128x128xf32, #tpu.memory_space<vmem>> -> memref<128x128xf32, #tpu.memory_space<vmem>>
    %dma_wait3A_55 = arith.constant 0 : i32
    %dma_wait3A_56 = tpu.memref_slice %arg8[%dma_wait3A, %dma_wait3A_55] : memref<4x128xi32, #tpu.memory_space<vmem>> -> memref<1x128xi32, #tpu.memory_space<vmem>>
    %dma_wait3A_57 = tpu.memref_squeeze %dma_wait3A_56 : memref<1x128xi32, #tpu.memory_space<vmem>> -> memref<128xi32, #tpu.memory_space<vmem>>
    %dma_wait3A_58 = arith.constant 0 : i32
    %dma_wait3A_59 = arith.constant 0 : i32
    %dma_wait3A_60 = tpu.memref_slice %arg4[%dma_wait3A_58, %dma_wait3A_59] : memref<500000x128xf32, #tpu.memory_space<hbm>> -> memref<500000x128xf32, #tpu.memory_space<hbm>>
    tpu.wait_indirect_dma semaphore(%arg12 : memref<!tpu.dma_semaphore, #tpu.memory_space<semaphore_mem>>) src(%dma_wait3A_60 : memref<500000x128xf32, #tpu.memory_space<hbm>>) dst(%dma_wait3A_54 : memref<128x128xf32, #tpu.memory_space<vmem>>)
    %dma_wait3A_61 = arith.constant 1 : i32
    %dma_wait3A_62 = arith.constant 1 : i32
    %dma_wait3A_63 = arith.constant 0 : i32
    %dma_wait3A_64 = arith.constant 0 : i32
    %dma_wait3A_65 = tpu.memref_slice %arg10[%dma_wait3A_62, %dma_wait3A_63, %dma_wait3A_64] : memref<4x128x128xf32, #tpu.memory_space<vmem>> -> memref<1x128x128xf32, #tpu.memory_space<vmem>>
    %dma_wait3A_66 = tpu.memref_squeeze %dma_wait3A_65 : memref<1x128x128xf32, #tpu.memory_space<vmem>> -> memref<128x128xf32, #tpu.memory_space<vmem>>
    %dma_wait3A_67 = arith.constant 0 : i32
    %dma_wait3A_68 = tpu.memref_slice %arg8[%dma_wait3A_61, %dma_wait3A_67] : memref<4x128xi32, #tpu.memory_space<vmem>> -> memref<1x128xi32, #tpu.memory_space<vmem>>
    %dma_wait3A_69 = tpu.memref_squeeze %dma_wait3A_68 : memref<1x128xi32, #tpu.memory_space<vmem>> -> memref<128xi32, #tpu.memory_space<vmem>>
    %dma_wait3A_70 = arith.constant 0 : i32
    %dma_wait3A_71 = arith.constant 0 : i32
    %dma_wait3A_72 = tpu.memref_slice %arg4[%dma_wait3A_70, %dma_wait3A_71] : memref<500000x128xf32, #tpu.memory_space<hbm>> -> memref<500000x128xf32, #tpu.memory_space<hbm>>
    tpu.wait_indirect_dma semaphore(%arg12 : memref<!tpu.dma_semaphore, #tpu.memory_space<semaphore_mem>>) src(%dma_wait3A_72 : memref<500000x128xf32, #tpu.memory_space<hbm>>) dst(%dma_wait3A_66 : memref<128x128xf32, #tpu.memory_space<vmem>>)
    %dma_wait3A_73 = arith.constant 2 : i32
    %dma_wait3A_74 = arith.constant 2 : i32
    %dma_wait3A_75 = arith.constant 0 : i32
    %dma_wait3A_76 = arith.constant 0 : i32
    %dma_wait3A_77 = tpu.memref_slice %arg10[%dma_wait3A_74, %dma_wait3A_75, %dma_wait3A_76] : memref<4x128x128xf32, #tpu.memory_space<vmem>> -> memref<1x128x128xf32, #tpu.memory_space<vmem>>
    %dma_wait3A_78 = tpu.memref_squeeze %dma_wait3A_77 : memref<1x128x128xf32, #tpu.memory_space<vmem>> -> memref<128x128xf32, #tpu.memory_space<vmem>>
    %dma_wait3A_79 = arith.constant 0 : i32
    %dma_wait3A_80 = tpu.memref_slice %arg8[%dma_wait3A_73, %dma_wait3A_79] : memref<4x128xi32, #tpu.memory_space<vmem>> -> memref<1x128xi32, #tpu.memory_space<vmem>>
    %dma_wait3A_81 = tpu.memref_squeeze %dma_wait3A_80 : memref<1x128xi32, #tpu.memory_space<vmem>> -> memref<128xi32, #tpu.memory_space<vmem>>
    %dma_wait3A_82 = arith.constant 0 : i32
    %dma_wait3A_83 = arith.constant 0 : i32
    %dma_wait3A_84 = tpu.memref_slice %arg4[%dma_wait3A_82, %dma_wait3A_83] : memref<500000x128xf32, #tpu.memory_space<hbm>> -> memref<500000x128xf32, #tpu.memory_space<hbm>>
    tpu.wait_indirect_dma semaphore(%arg12 : memref<!tpu.dma_semaphore, #tpu.memory_space<semaphore_mem>>) src(%dma_wait3A_84 : memref<500000x128xf32, #tpu.memory_space<hbm>>) dst(%dma_wait3A_78 : memref<128x128xf32, #tpu.memory_space<vmem>>)
    %dma_wait3A_85 = arith.constant 3 : i32
    %dma_wait3A_86 = arith.constant 3 : i32
    %dma_wait3A_87 = arith.constant 0 : i32
    %dma_wait3A_88 = arith.constant 0 : i32
    %dma_wait3A_89 = tpu.memref_slice %arg10[%dma_wait3A_86, %dma_wait3A_87, %dma_wait3A_88] : memref<4x128x128xf32, #tpu.memory_space<vmem>> -> memref<1x128x128xf32, #tpu.memory_space<vmem>>
    %dma_wait3A_90 = tpu.memref_squeeze %dma_wait3A_89 : memref<1x128x128xf32, #tpu.memory_space<vmem>> -> memref<128x128xf32, #tpu.memory_space<vmem>>
    %dma_wait3A_91 = arith.constant 0 : i32
    %dma_wait3A_92 = tpu.memref_slice %arg8[%dma_wait3A_85, %dma_wait3A_91] : memref<4x128xi32, #tpu.memory_space<vmem>> -> memref<1x128xi32, #tpu.memory_space<vmem>>
    %dma_wait3A_93 = tpu.memref_squeeze %dma_wait3A_92 : memref<1x128xi32, #tpu.memory_space<vmem>> -> memref<128xi32, #tpu.memory_space<vmem>>
    %dma_wait3A_94 = arith.constant 0 : i32
    %dma_wait3A_95 = arith.constant 0 : i32
    %dma_wait3A_96 = tpu.memref_slice %arg4[%dma_wait3A_94, %dma_wait3A_95] : memref<500000x128xf32, #tpu.memory_space<hbm>> -> memref<500000x128xf32, #tpu.memory_space<hbm>>
    tpu.wait_indirect_dma semaphore(%arg12 : memref<!tpu.dma_semaphore, #tpu.memory_space<semaphore_mem>>) src(%dma_wait3A_96 : memref<500000x128xf32, #tpu.memory_space<hbm>>) dst(%dma_wait3A_90 : memref<128x128xf32, #tpu.memory_space<vmem>>)
    %mul3A_97 = arith.constant 512 : i32
    %mul3A_98 = arith.muli %add3A, %mul3A_97 : i32
    %add3A_99 = arith.constant 0 : i32
    %add3A_100 = arith.addi %mul3A_98, %add3A_99 : i32
    %run_scoped3A = arith.constant 0 : i32
    "tpu.region"() ({
      %run_scoped3A_188 = tpu.sem_alloc : memref<!tpu.dma_semaphore, #tpu.memory_space<semaphore_mem>>
      %dma_start3A_189 = arith.constant 0 : i32
      %dma_start3A_190 = arith.constant 0 : i32
      %dma_start3A_191 = tpu.memref_slice %arg10[%run_scoped3A, %dma_start3A_189, %dma_start3A_190] : memref<4x128x128xf32, #tpu.memory_space<vmem>> -> memref<1x128x128xf32, #tpu.memory_space<vmem>>
      %dma_start3A_192 = tpu.memref_squeeze %dma_start3A_191 : memref<1x128x128xf32, #tpu.memory_space<vmem>> -> memref<128x128xf32, #tpu.memory_space<vmem>>
      %dma_start3A_193 = arith.constant 0 : i32
      %dma_start3A_194 = tpu.memref_slice %arg6[%add3A_100, %dma_start3A_193] : memref<16384x128xf32, #tpu.memory_space<hbm>> -> memref<128x128xf32, #tpu.memory_space<hbm>>
      %dma_start3A_195 = arith.constant 0 : i32
      %dma_start3A_196 = tpu.memref_slice %arg6[%add3A_100, %dma_start3A_195] : memref<16384x128xf32, #tpu.memory_space<hbm>> -> memref<128x128xf32, #tpu.memory_space<hbm>>
      %dma_start3A_197 = arith.constant 0 : i32
      %dma_start3A_198 = arith.constant 0 : i32
      %dma_start3A_199 = tpu.memref_slice %arg10[%run_scoped3A, %dma_start3A_197, %dma_start3A_198] : memref<4x128x128xf32, #tpu.memory_space<vmem>> -> memref<1x128x128xf32, #tpu.memory_space<vmem>>
      %dma_start3A_200 = tpu.memref_squeeze %dma_start3A_199 : memref<1x128x128xf32, #tpu.memory_space<vmem>> -> memref<128x128xf32, #tpu.memory_space<vmem>>
      tpu.enqueue_dma source(%dma_start3A_200 : memref<128x128xf32, #tpu.memory_space<vmem>>) target(%dma_start3A_196 : memref<128x128xf32, #tpu.memory_space<hbm>>) target_semaphore(%run_scoped3A_188 : memref<!tpu.dma_semaphore, #tpu.memory_space<semaphore_mem>>)
      %dma_wait3A_201 = arith.constant 0 : i32
      %dma_wait3A_202 = arith.constant 0 : i32
      %dma_wait3A_203 = tpu.memref_slice %arg10[%run_scoped3A, %dma_wait3A_201, %dma_wait3A_202] : memref<4x128x128xf32, #tpu.memory_space<vmem>> -> memref<1x128x128xf32, #tpu.memory_space<vmem>>
      %dma_wait3A_204 = tpu.memref_squeeze %dma_wait3A_203 : memref<1x128x128xf32, #tpu.memory_space<vmem>> -> memref<128x128xf32, #tpu.memory_space<vmem>>
      %dma_wait3A_205 = arith.constant 0 : i32
      %dma_wait3A_206 = tpu.memref_slice %arg6[%add3A_100, %dma_wait3A_205] : memref<16384x128xf32, #tpu.memory_space<hbm>> -> memref<128x128xf32, #tpu.memory_space<hbm>>
      %dma_wait3A_207 = arith.constant 0 : i32
      %dma_wait3A_208 = tpu.memref_slice %arg6[%add3A_100, %dma_wait3A_207] : memref<16384x128xf32, #tpu.memory_space<hbm>> -> memref<128x128xf32, #tpu.memory_space<hbm>>
      %dma_wait3A_209 = arith.constant 0 : i32
      %dma_wait3A_210 = arith.constant 0 : i32
      %dma_wait3A_211 = tpu.memref_slice %arg10[%run_scoped3A, %dma_wait3A_209, %dma_wait3A_210] : memref<4x128x128xf32, #tpu.memory_space<vmem>> -> memref<1x128x128xf32, #tpu.memory_space<vmem>>
      %dma_wait3A_212 = tpu.memref_squeeze %dma_wait3A_211 : memref<1x128x128xf32, #tpu.memory_space<vmem>> -> memref<128x128xf32, #tpu.memory_space<vmem>>
      tpu.wait_dma2 semaphore(%run_scoped3A_188 : memref<!tpu.dma_semaphore, #tpu.memory_space<semaphore_mem>>) src(%dma_wait3A_212 : memref<128x128xf32, #tpu.memory_space<vmem>>) dst(%dma_wait3A_208 : memref<128x128xf32, #tpu.memory_space<hbm>>)
      tpu.yield
    }) : () -> ()
    %mul3A_101 = arith.constant 512 : i32
    %mul3A_102 = arith.muli %add3A, %mul3A_101 : i32
    %add3A_103 = arith.constant 128 : i32
    %add3A_104 = arith.addi %mul3A_102, %add3A_103 : i32
    %run_scoped3A_105 = arith.constant 1 : i32
    "tpu.region"() ({
      %run_scoped3A_188 = tpu.sem_alloc : memref<!tpu.dma_semaphore, #tpu.memory_space<semaphore_mem>>
      %dma_start3A_189 = arith.constant 0 : i32
      %dma_start3A_190 = arith.constant 0 : i32
      %dma_start3A_191 = tpu.memref_slice %arg10[%run_scoped3A_105, %dma_start3A_189, %dma_start3A_190] : memref<4x128x128xf32, #tpu.memory_space<vmem>> -> memref<1x128x128xf32, #tpu.memory_space<vmem>>
      %dma_start3A_192 = tpu.memref_squeeze %dma_start3A_191 : memref<1x128x128xf32, #tpu.memory_space<vmem>> -> memref<128x128xf32, #tpu.memory_space<vmem>>
      %dma_start3A_193 = arith.constant 0 : i32
      %dma_start3A_194 = tpu.memref_slice %arg6[%add3A_104, %dma_start3A_193] : memref<16384x128xf32, #tpu.memory_space<hbm>> -> memref<128x128xf32, #tpu.memory_space<hbm>>
      %dma_start3A_195 = arith.constant 0 : i32
      %dma_start3A_196 = tpu.memref_slice %arg6[%add3A_104, %dma_start3A_195] : memref<16384x128xf32, #tpu.memory_space<hbm>> -> memref<128x128xf32, #tpu.memory_space<hbm>>
      %dma_start3A_197 = arith.constant 0 : i32
      %dma_start3A_198 = arith.constant 0 : i32
      %dma_start3A_199 = tpu.memref_slice %arg10[%run_scoped3A_105, %dma_start3A_197, %dma_start3A_198] : memref<4x128x128xf32, #tpu.memory_space<vmem>> -> memref<1x128x128xf32, #tpu.memory_space<vmem>>
      %dma_start3A_200 = tpu.memref_squeeze %dma_start3A_199 : memref<1x128x128xf32, #tpu.memory_space<vmem>> -> memref<128x128xf32, #tpu.memory_space<vmem>>
      tpu.enqueue_dma source(%dma_start3A_200 : memref<128x128xf32, #tpu.memory_space<vmem>>) target(%dma_start3A_196 : memref<128x128xf32, #tpu.memory_space<hbm>>) target_semaphore(%run_scoped3A_188 : memref<!tpu.dma_semaphore, #tpu.memory_space<semaphore_mem>>)
      %dma_wait3A_201 = arith.constant 0 : i32
      %dma_wait3A_202 = arith.constant 0 : i32
      %dma_wait3A_203 = tpu.memref_slice %arg10[%run_scoped3A_105, %dma_wait3A_201, %dma_wait3A_202] : memref<4x128x128xf32, #tpu.memory_space<vmem>> -> memref<1x128x128xf32, #tpu.memory_space<vmem>>
      %dma_wait3A_204 = tpu.memref_squeeze %dma_wait3A_203 : memref<1x128x128xf32, #tpu.memory_space<vmem>> -> memref<128x128xf32, #tpu.memory_space<vmem>>
      %dma_wait3A_205 = arith.constant 0 : i32
      %dma_wait3A_206 = tpu.memref_slice %arg6[%add3A_104, %dma_wait3A_205] : memref<16384x128xf32, #tpu.memory_space<hbm>> -> memref<128x128xf32, #tpu.memory_space<hbm>>
      %dma_wait3A_207 = arith.constant 0 : i32
      %dma_wait3A_208 = tpu.memref_slice %arg6[%add3A_104, %dma_wait3A_207] : memref<16384x128xf32, #tpu.memory_space<hbm>> -> memref<128x128xf32, #tpu.memory_space<hbm>>
      %dma_wait3A_209 = arith.constant 0 : i32
      %dma_wait3A_210 = arith.constant 0 : i32
      %dma_wait3A_211 = tpu.memref_slice %arg10[%run_scoped3A_105, %dma_wait3A_209, %dma_wait3A_210] : memref<4x128x128xf32, #tpu.memory_space<vmem>> -> memref<1x128x128xf32, #tpu.memory_space<vmem>>
      %dma_wait3A_212 = tpu.memref_squeeze %dma_wait3A_211 : memref<1x128x128xf32, #tpu.memory_space<vmem>> -> memref<128x128xf32, #tpu.memory_space<vmem>>
      tpu.wait_dma2 semaphore(%run_scoped3A_188 : memref<!tpu.dma_semaphore, #tpu.memory_space<semaphore_mem>>) src(%dma_wait3A_212 : memref<128x128xf32, #tpu.memory_space<vmem>>) dst(%dma_wait3A_208 : memref<128x128xf32, #tpu.memory_space<hbm>>)
      tpu.yield
    }) : () -> ()
    %mul3A_106 = arith.constant 512 : i32
    %mul3A_107 = arith.muli %add3A, %mul3A_106 : i32
    %add3A_108 = arith.constant 256 : i32
    %add3A_109 = arith.addi %mul3A_107, %add3A_108 : i32
    %run_scoped3A_110 = arith.constant 2 : i32
    "tpu.region"() ({
      %run_scoped3A_188 = tpu.sem_alloc : memref<!tpu.dma_semaphore, #tpu.memory_space<semaphore_mem>>
      %dma_start3A_189 = arith.constant 0 : i32
      %dma_start3A_190 = arith.constant 0 : i32
      %dma_start3A_191 = tpu.memref_slice %arg10[%run_scoped3A_110, %dma_start3A_189, %dma_start3A_190] : memref<4x128x128xf32, #tpu.memory_space<vmem>> -> memref<1x128x128xf32, #tpu.memory_space<vmem>>
      %dma_start3A_192 = tpu.memref_squeeze %dma_start3A_191 : memref<1x128x128xf32, #tpu.memory_space<vmem>> -> memref<128x128xf32, #tpu.memory_space<vmem>>
      %dma_start3A_193 = arith.constant 0 : i32
      %dma_start3A_194 = tpu.memref_slice %arg6[%add3A_109, %dma_start3A_193] : memref<16384x128xf32, #tpu.memory_space<hbm>> -> memref<128x128xf32, #tpu.memory_space<hbm>>
      %dma_start3A_195 = arith.constant 0 : i32
      %dma_start3A_196 = tpu.memref_slice %arg6[%add3A_109, %dma_start3A_195] : memref<16384x128xf32, #tpu.memory_space<hbm>> -> memref<128x128xf32, #tpu.memory_space<hbm>>
      %dma_start3A_197 = arith.constant 0 : i32
      %dma_start3A_198 = arith.constant 0 : i32
      %dma_start3A_199 = tpu.memref_slice %arg10[%run_scoped3A_110, %dma_start3A_197, %dma_start3A_198] : memref<4x128x128xf32, #tpu.memory_space<vmem>> -> memref<1x128x128xf32, #tpu.memory_space<vmem>>
      %dma_start3A_200 = tpu.memref_squeeze %dma_start3A_199 : memref<1x128x128xf32, #tpu.memory_space<vmem>> -> memref<128x128xf32, #tpu.memory_space<vmem>>
      tpu.enqueue_dma source(%dma_start3A_200 : memref<128x128xf32, #tpu.memory_space<vmem>>) target(%dma_start3A_196 : memref<128x128xf32, #tpu.memory_space<hbm>>) target_semaphore(%run_scoped3A_188 : memref<!tpu.dma_semaphore, #tpu.memory_space<semaphore_mem>>)
      %dma_wait3A_201 = arith.constant 0 : i32
      %dma_wait3A_202 = arith.constant 0 : i32
      %dma_wait3A_203 = tpu.memref_slice %arg10[%run_scoped3A_110, %dma_wait3A_201, %dma_wait3A_202] : memref<4x128x128xf32, #tpu.memory_space<vmem>> -> memref<1x128x128xf32, #tpu.memory_space<vmem>>
      %dma_wait3A_204 = tpu.memref_squeeze %dma_wait3A_203 : memref<1x128x128xf32, #tpu.memory_space<vmem>> -> memref<128x128xf32, #tpu.memory_space<vmem>>
      %dma_wait3A_205 = arith.constant 0 : i32
      %dma_wait3A_206 = tpu.memref_slice %arg6[%add3A_109, %dma_wait3A_205] : memref<16384x128xf32, #tpu.memory_space<hbm>> -> memref<128x128xf32, #tpu.memory_space<hbm>>
      %dma_wait3A_207 = arith.constant 0 : i32
      %dma_wait3A_208 = tpu.memref_slice %arg6[%add3A_109, %dma_wait3A_207] : memref<16384x128xf32, #tpu.memory_space<hbm>> -> memref<128x128xf32, #tpu.memory_space<hbm>>
      %dma_wait3A_209 = arith.constant 0 : i32
      %dma_wait3A_210 = arith.constant 0 : i32
      %dma_wait3A_211 = tpu.memref_slice %arg10[%run_scoped3A_110, %dma_wait3A_209, %dma_wait3A_210] : memref<4x128x128xf32, #tpu.memory_space<vmem>> -> memref<1x128x128xf32, #tpu.memory_space<vmem>>
      %dma_wait3A_212 = tpu.memref_squeeze %dma_wait3A_211 : memref<1x128x128xf32, #tpu.memory_space<vmem>> -> memref<128x128xf32, #tpu.memory_space<vmem>>
      tpu.wait_dma2 semaphore(%run_scoped3A_188 : memref<!tpu.dma_semaphore, #tpu.memory_space<semaphore_mem>>) src(%dma_wait3A_212 : memref<128x128xf32, #tpu.memory_space<vmem>>) dst(%dma_wait3A_208 : memref<128x128xf32, #tpu.memory_space<hbm>>)
      tpu.yield
    }) : () -> ()
    %mul3A_111 = arith.constant 512 : i32
    %mul3A_112 = arith.muli %add3A, %mul3A_111 : i32
    %add3A_113 = arith.constant 384 : i32
    %add3A_114 = arith.addi %mul3A_112, %add3A_113 : i32
    %run_scoped3A_115 = arith.constant 3 : i32
    "tpu.region"() ({
      %run_scoped3A_188 = tpu.sem_alloc : memref<!tpu.dma_semaphore, #tpu.memory_space<semaphore_mem>>
      %dma_start3A_189 = arith.constant 0 : i32
      %dma_start3A_190 = arith.constant 0 : i32
      %dma_start3A_191 = tpu.memref_slice %arg10[%run_scoped3A_115, %dma_start3A_189, %dma_start3A_190] : memref<4x128x128xf32, #tpu.memory_space<vmem>> -> memref<1x128x128xf32, #tpu.memory_space<vmem>>
      %dma_start3A_192 = tpu.memref_squeeze %dma_start3A_191 : memref<1x128x128xf32, #tpu.memory_space<vmem>> -> memref<128x128xf32, #tpu.memory_space<vmem>>
      %dma_start3A_193 = arith.constant 0 : i32
      %dma_start3A_194 = tpu.memref_slice %arg6[%add3A_114, %dma_start3A_193] : memref<16384x128xf32, #tpu.memory_space<hbm>> -> memref<128x128xf32, #tpu.memory_space<hbm>>
      %dma_start3A_195 = arith.constant 0 : i32
      %dma_start3A_196 = tpu.memref_slice %arg6[%add3A_114, %dma_start3A_195] : memref<16384x128xf32, #tpu.memory_space<hbm>> -> memref<128x128xf32, #tpu.memory_space<hbm>>
      %dma_start3A_197 = arith.constant 0 : i32
      %dma_start3A_198 = arith.constant 0 : i32
      %dma_start3A_199 = tpu.memref_slice %arg10[%run_scoped3A_115, %dma_start3A_197, %dma_start3A_198] : memref<4x128x128xf32, #tpu.memory_space<vmem>> -> memref<1x128x128xf32, #tpu.memory_space<vmem>>
      %dma_start3A_200 = tpu.memref_squeeze %dma_start3A_199 : memref<1x128x128xf32, #tpu.memory_space<vmem>> -> memref<128x128xf32, #tpu.memory_space<vmem>>
      tpu.enqueue_dma source(%dma_start3A_200 : memref<128x128xf32, #tpu.memory_space<vmem>>) target(%dma_start3A_196 : memref<128x128xf32, #tpu.memory_space<hbm>>) target_semaphore(%run_scoped3A_188 : memref<!tpu.dma_semaphore, #tpu.memory_space<semaphore_mem>>)
      %dma_wait3A_201 = arith.constant 0 : i32
      %dma_wait3A_202 = arith.constant 0 : i32
      %dma_wait3A_203 = tpu.memref_slice %arg10[%run_scoped3A_115, %dma_wait3A_201, %dma_wait3A_202] : memref<4x128x128xf32, #tpu.memory_space<vmem>> -> memref<1x128x128xf32, #tpu.memory_space<vmem>>
      %dma_wait3A_204 = tpu.memref_squeeze %dma_wait3A_203 : memref<1x128x128xf32, #tpu.memory_space<vmem>> -> memref<128x128xf32, #tpu.memory_space<vmem>>
      %dma_wait3A_205 = arith.constant 0 : i32
      %dma_wait3A_206 = tpu.memref_slice %arg6[%add3A_114, %dma_wait3A_205] : memref<16384x128xf32, #tpu.memory_space<hbm>> -> memref<128x128xf32, #tpu.memory_space<hbm>>
      %dma_wait3A_207 = arith.constant 0 : i32
      %dma_wait3A_208 = tpu.memref_slice %arg6[%add3A_114, %dma_wait3A_207] : memref<16384x128xf32, #tpu.memory_space<hbm>> -> memref<128x128xf32, #tpu.memory_space<hbm>>
      %dma_wait3A_209 = arith.constant 0 : i32
      %dma_wait3A_210 = arith.constant 0 : i32
      %dma_wait3A_211 = tpu.memref_slice %arg10[%run_scoped3A_115, %dma_wait3A_209, %dma_wait3A_210] : memref<4x128x128xf32, #tpu.memory_space<vmem>> -> memref<1x128x128xf32, #tpu.memory_space<vmem>>
      %dma_wait3A_212 = tpu.memref_squeeze %dma_wait3A_211 : memref<1x128x128xf32, #tpu.memory_space<vmem>> -> memref<128x128xf32, #tpu.memory_space<vmem>>
      tpu.wait_dma2 semaphore(%run_scoped3A_188 : memref<!tpu.dma_semaphore, #tpu.memory_space<semaphore_mem>>) src(%dma_wait3A_212 : memref<128x128xf32, #tpu.memory_space<vmem>>) dst(%dma_wait3A_208 : memref<128x128xf32, #tpu.memory_space<hbm>>)
      tpu.yield
    }) : () -> ()
    %mul3A_116 = arith.constant 512 : i32
    %mul3A_117 = arith.muli %add3A, %mul3A_116 : i32
    %add3A_118 = arith.constant 0 : i32
    %add3A_119 = arith.addi %mul3A_117, %add3A_118 : i32
    %dma_start3A_120 = arith.constant 0 : i32
    %dma_start3A_121 = arith.constant 0 : i32
    %dma_start3A_122 = tpu.memref_slice %arg9[%dma_start3A_120, %dma_start3A_121] : memref<4x128xi32, #tpu.memory_space<vmem>> -> memref<1x128xi32, #tpu.memory_space<vmem>>
    %dma_start3A_123 = tpu.memref_squeeze %dma_start3A_122 : memref<1x128xi32, #tpu.memory_space<vmem>> -> memref<128xi32, #tpu.memory_space<vmem>>
    %dma_start3A_124 = arith.constant 0 : i32
    %dma_start3A_125 = arith.constant 0 : i32
    %dma_start3A_126 = tpu.memref_slice %arg5[%dma_start3A_124, %dma_start3A_125] : memref<7813x128xf32, #tpu.memory_space<hbm>> -> memref<7813x128xf32, #tpu.memory_space<hbm>>
    tpu.enqueue_indirect_dma source(%dma_start3A_126 : memref<7813x128xf32, #tpu.memory_space<hbm>>) target(%arg11 : memref<128x128xf32, #tpu.memory_space<vmem>>) offsets(%dma_start3A_123 : memref<128xi32, #tpu.memory_space<vmem>>) semaphore(%arg13 : memref<!tpu.dma_semaphore, #tpu.memory_space<semaphore_mem>>)
    %dma_wait3A_127 = arith.constant 0 : i32
    %dma_wait3A_128 = arith.constant 0 : i32
    %dma_wait3A_129 = tpu.memref_slice %arg9[%dma_wait3A_127, %dma_wait3A_128] : memref<4x128xi32, #tpu.memory_space<vmem>> -> memref<1x128xi32, #tpu.memory_space<vmem>>
    %dma_wait3A_130 = tpu.memref_squeeze %dma_wait3A_129 : memref<1x128xi32, #tpu.memory_space<vmem>> -> memref<128xi32, #tpu.memory_space<vmem>>
    %dma_wait3A_131 = arith.constant 0 : i32
    %dma_wait3A_132 = arith.constant 0 : i32
    %dma_wait3A_133 = tpu.memref_slice %arg5[%dma_wait3A_131, %dma_wait3A_132] : memref<7813x128xf32, #tpu.memory_space<hbm>> -> memref<7813x128xf32, #tpu.memory_space<hbm>>
    tpu.wait_indirect_dma semaphore(%arg13 : memref<!tpu.dma_semaphore, #tpu.memory_space<semaphore_mem>>) src(%dma_wait3A_133 : memref<7813x128xf32, #tpu.memory_space<hbm>>) dst(%arg11 : memref<128x128xf32, #tpu.memory_space<vmem>>)
    "tpu.region"() ({
      %run_scoped3A_188 = tpu.sem_alloc : memref<!tpu.dma_semaphore, #tpu.memory_space<semaphore_mem>>
      %dma_start3A_189 = arith.constant 0 : i32
      %dma_start3A_190 = tpu.memref_slice %arg7[%add3A_119, %dma_start3A_189] : memref<16384x128xf32, #tpu.memory_space<hbm>> -> memref<128x128xf32, #tpu.memory_space<hbm>>
      %dma_start3A_191 = arith.constant 0 : i32
      %dma_start3A_192 = tpu.memref_slice %arg7[%add3A_119, %dma_start3A_191] : memref<16384x128xf32, #tpu.memory_space<hbm>> -> memref<128x128xf32, #tpu.memory_space<hbm>>
      tpu.enqueue_dma source(%arg11 : memref<128x128xf32, #tpu.memory_space<vmem>>) target(%dma_start3A_192 : memref<128x128xf32, #tpu.memory_space<hbm>>) target_semaphore(%run_scoped3A_188 : memref<!tpu.dma_semaphore, #tpu.memory_space<semaphore_mem>>)
      %dma_wait3A_193 = arith.constant 0 : i32
      %dma_wait3A_194 = tpu.memref_slice %arg7[%add3A_119, %dma_wait3A_193] : memref<16384x128xf32, #tpu.memory_space<hbm>> -> memref<128x128xf32, #tpu.memory_space<hbm>>
      %dma_wait3A_195 = arith.constant 0 : i32
      %dma_wait3A_196 = tpu.memref_slice %arg7[%add3A_119, %dma_wait3A_195] : memref<16384x128xf32, #tpu.memory_space<hbm>> -> memref<128x128xf32, #tpu.memory_space<hbm>>
      tpu.wait_dma2 semaphore(%run_scoped3A_188 : memref<!tpu.dma_semaphore, #tpu.memory_space<semaphore_mem>>) src(%arg11 : memref<128x128xf32, #tpu.memory_space<vmem>>) dst(%dma_wait3A_196 : memref<128x128xf32, #tpu.memory_space<hbm>>)
      tpu.yield
    }) : () -> ()
    %mul3A_134 = arith.constant 512 : i32
    %mul3A_135 = arith.muli %add3A, %mul3A_134 : i32
    %add3A_136 = arith.constant 128 : i32
    %add3A_137 = arith.addi %mul3A_135, %add3A_136 : i32
    %dma_start3A_138 = arith.constant 1 : i32
    %dma_start3A_139 = arith.constant 0 : i32
    %dma_start3A_140 = tpu.memref_slice %arg9[%dma_start3A_138, %dma_start3A_139] : memref<4x128xi32, #tpu.memory_space<vmem>> -> memref<1x128xi32, #tpu.memory_space<vmem>>
    %dma_start3A_141 = tpu.memref_squeeze %dma_start3A_140 : memref<1x128xi32, #tpu.memory_space<vmem>> -> memref<128xi32, #tpu.memory_space<vmem>>
    %dma_start3A_142 = arith.constant 0 : i32
    %dma_start3A_143 = arith.constant 0 : i32
    %dma_start3A_144 = tpu.memref_slice %arg5[%dma_start3A_142, %dma_start3A_143] : memref<7813x128xf32, #tpu.memory_space<hbm>> -> memref<7813x128xf32, #tpu.memory_space<hbm>>
    tpu.enqueue_indirect_dma source(%dma_start3A_144 : memref<7813x128xf32, #tpu.memory_space<hbm>>) target(%arg11 : memref<128x128xf32, #tpu.memory_space<vmem>>) offsets(%dma_start3A_141 : memref<128xi32, #tpu.memory_space<vmem>>) semaphore(%arg13 : memref<!tpu.dma_semaphore, #tpu.memory_space<semaphore_mem>>)
    %dma_wait3A_145 = arith.constant 1 : i32
    %dma_wait3A_146 = arith.constant 0 : i32
    %dma_wait3A_147 = tpu.memref_slice %arg9[%dma_wait3A_145, %dma_wait3A_146] : memref<4x128xi32, #tpu.memory_space<vmem>> -> memref<1x128xi32, #tpu.memory_space<vmem>>
    %dma_wait3A_148 = tpu.memref_squeeze %dma_wait3A_147 : memref<1x128xi32, #tpu.memory_space<vmem>> -> memref<128xi32, #tpu.memory_space<vmem>>
    %dma_wait3A_149 = arith.constant 0 : i32
    %dma_wait3A_150 = arith.constant 0 : i32
    %dma_wait3A_151 = tpu.memref_slice %arg5[%dma_wait3A_149, %dma_wait3A_150] : memref<7813x128xf32, #tpu.memory_space<hbm>> -> memref<7813x128xf32, #tpu.memory_space<hbm>>
    tpu.wait_indirect_dma semaphore(%arg13 : memref<!tpu.dma_semaphore, #tpu.memory_space<semaphore_mem>>) src(%dma_wait3A_151 : memref<7813x128xf32, #tpu.memory_space<hbm>>) dst(%arg11 : memref<128x128xf32, #tpu.memory_space<vmem>>)
    "tpu.region"() ({
      %run_scoped3A_188 = tpu.sem_alloc : memref<!tpu.dma_semaphore, #tpu.memory_space<semaphore_mem>>
      %dma_start3A_189 = arith.constant 0 : i32
      %dma_start3A_190 = tpu.memref_slice %arg7[%add3A_137, %dma_start3A_189] : memref<16384x128xf32, #tpu.memory_space<hbm>> -> memref<128x128xf32, #tpu.memory_space<hbm>>
      %dma_start3A_191 = arith.constant 0 : i32
      %dma_start3A_192 = tpu.memref_slice %arg7[%add3A_137, %dma_start3A_191] : memref<16384x128xf32, #tpu.memory_space<hbm>> -> memref<128x128xf32, #tpu.memory_space<hbm>>
      tpu.enqueue_dma source(%arg11 : memref<128x128xf32, #tpu.memory_space<vmem>>) target(%dma_start3A_192 : memref<128x128xf32, #tpu.memory_space<hbm>>) target_semaphore(%run_scoped3A_188 : memref<!tpu.dma_semaphore, #tpu.memory_space<semaphore_mem>>)
      %dma_wait3A_193 = arith.constant 0 : i32
      %dma_wait3A_194 = tpu.memref_slice %arg7[%add3A_137, %dma_wait3A_193] : memref<16384x128xf32, #tpu.memory_space<hbm>> -> memref<128x128xf32, #tpu.memory_space<hbm>>
      %dma_wait3A_195 = arith.constant 0 : i32
      %dma_wait3A_196 = tpu.memref_slice %arg7[%add3A_137, %dma_wait3A_195] : memref<16384x128xf32, #tpu.memory_space<hbm>> -> memref<128x128xf32, #tpu.memory_space<hbm>>
      tpu.wait_dma2 semaphore(%run_scoped3A_188 : memref<!tpu.dma_semaphore, #tpu.memory_space<semaphore_mem>>) src(%arg11 : memref<128x128xf32, #tpu.memory_space<vmem>>) dst(%dma_wait3A_196 : memref<128x128xf32, #tpu.memory_space<hbm>>)
      tpu.yield
    }) : () -> ()
    %mul3A_152 = arith.constant 512 : i32
    %mul3A_153 = arith.muli %add3A, %mul3A_152 : i32
    %add3A_154 = arith.constant 256 : i32
    %add3A_155 = arith.addi %mul3A_153, %add3A_154 : i32
    %dma_start3A_156 = arith.constant 2 : i32
    %dma_start3A_157 = arith.constant 0 : i32
    %dma_start3A_158 = tpu.memref_slice %arg9[%dma_start3A_156, %dma_start3A_157] : memref<4x128xi32, #tpu.memory_space<vmem>> -> memref<1x128xi32, #tpu.memory_space<vmem>>
    %dma_start3A_159 = tpu.memref_squeeze %dma_start3A_158 : memref<1x128xi32, #tpu.memory_space<vmem>> -> memref<128xi32, #tpu.memory_space<vmem>>
    %dma_start3A_160 = arith.constant 0 : i32
    %dma_start3A_161 = arith.constant 0 : i32
    %dma_start3A_162 = tpu.memref_slice %arg5[%dma_start3A_160, %dma_start3A_161] : memref<7813x128xf32, #tpu.memory_space<hbm>> -> memref<7813x128xf32, #tpu.memory_space<hbm>>
    tpu.enqueue_indirect_dma source(%dma_start3A_162 : memref<7813x128xf32, #tpu.memory_space<hbm>>) target(%arg11 : memref<128x128xf32, #tpu.memory_space<vmem>>) offsets(%dma_start3A_159 : memref<128xi32, #tpu.memory_space<vmem>>) semaphore(%arg13 : memref<!tpu.dma_semaphore, #tpu.memory_space<semaphore_mem>>)
    %dma_wait3A_163 = arith.constant 2 : i32
    %dma_wait3A_164 = arith.constant 0 : i32
    %dma_wait3A_165 = tpu.memref_slice %arg9[%dma_wait3A_163, %dma_wait3A_164] : memref<4x128xi32, #tpu.memory_space<vmem>> -> memref<1x128xi32, #tpu.memory_space<vmem>>
    %dma_wait3A_166 = tpu.memref_squeeze %dma_wait3A_165 : memref<1x128xi32, #tpu.memory_space<vmem>> -> memref<128xi32, #tpu.memory_space<vmem>>
    %dma_wait3A_167 = arith.constant 0 : i32
    %dma_wait3A_168 = arith.constant 0 : i32
    %dma_wait3A_169 = tpu.memref_slice %arg5[%dma_wait3A_167, %dma_wait3A_168] : memref<7813x128xf32, #tpu.memory_space<hbm>> -> memref<7813x128xf32, #tpu.memory_space<hbm>>
    tpu.wait_indirect_dma semaphore(%arg13 : memref<!tpu.dma_semaphore, #tpu.memory_space<semaphore_mem>>) src(%dma_wait3A_169 : memref<7813x128xf32, #tpu.memory_space<hbm>>) dst(%arg11 : memref<128x128xf32, #tpu.memory_space<vmem>>)
    "tpu.region"() ({
      %run_scoped3A_188 = tpu.sem_alloc : memref<!tpu.dma_semaphore, #tpu.memory_space<semaphore_mem>>
      %dma_start3A_189 = arith.constant 0 : i32
      %dma_start3A_190 = tpu.memref_slice %arg7[%add3A_155, %dma_start3A_189] : memref<16384x128xf32, #tpu.memory_space<hbm>> -> memref<128x128xf32, #tpu.memory_space<hbm>>
      %dma_start3A_191 = arith.constant 0 : i32
      %dma_start3A_192 = tpu.memref_slice %arg7[%add3A_155, %dma_start3A_191] : memref<16384x128xf32, #tpu.memory_space<hbm>> -> memref<128x128xf32, #tpu.memory_space<hbm>>
      tpu.enqueue_dma source(%arg11 : memref<128x128xf32, #tpu.memory_space<vmem>>) target(%dma_start3A_192 : memref<128x128xf32, #tpu.memory_space<hbm>>) target_semaphore(%run_scoped3A_188 : memref<!tpu.dma_semaphore, #tpu.memory_space<semaphore_mem>>)
      %dma_wait3A_193 = arith.constant 0 : i32
      %dma_wait3A_194 = tpu.memref_slice %arg7[%add3A_155, %dma_wait3A_193] : memref<16384x128xf32, #tpu.memory_space<hbm>> -> memref<128x128xf32, #tpu.memory_space<hbm>>
      %dma_wait3A_195 = arith.constant 0 : i32
      %dma_wait3A_196 = tpu.memref_slice %arg7[%add3A_155, %dma_wait3A_195] : memref<16384x128xf32, #tpu.memory_space<hbm>> -> memref<128x128xf32, #tpu.memory_space<hbm>>
      tpu.wait_dma2 semaphore(%run_scoped3A_188 : memref<!tpu.dma_semaphore, #tpu.memory_space<semaphore_mem>>) src(%arg11 : memref<128x128xf32, #tpu.memory_space<vmem>>) dst(%dma_wait3A_196 : memref<128x128xf32, #tpu.memory_space<hbm>>)
      tpu.yield
    }) : () -> ()
    %mul3A_170 = arith.constant 512 : i32
    %mul3A_171 = arith.muli %add3A, %mul3A_170 : i32
    %add3A_172 = arith.constant 384 : i32
    %add3A_173 = arith.addi %mul3A_171, %add3A_172 : i32
    %dma_start3A_174 = arith.constant 3 : i32
    %dma_start3A_175 = arith.constant 0 : i32
    %dma_start3A_176 = tpu.memref_slice %arg9[%dma_start3A_174, %dma_start3A_175] : memref<4x128xi32, #tpu.memory_space<vmem>> -> memref<1x128xi32, #tpu.memory_space<vmem>>
    %dma_start3A_177 = tpu.memref_squeeze %dma_start3A_176 : memref<1x128xi32, #tpu.memory_space<vmem>> -> memref<128xi32, #tpu.memory_space<vmem>>
    %dma_start3A_178 = arith.constant 0 : i32
    %dma_start3A_179 = arith.constant 0 : i32
    %dma_start3A_180 = tpu.memref_slice %arg5[%dma_start3A_178, %dma_start3A_179] : memref<7813x128xf32, #tpu.memory_space<hbm>> -> memref<7813x128xf32, #tpu.memory_space<hbm>>
    tpu.enqueue_indirect_dma source(%dma_start3A_180 : memref<7813x128xf32, #tpu.memory_space<hbm>>) target(%arg11 : memref<128x128xf32, #tpu.memory_space<vmem>>) offsets(%dma_start3A_177 : memref<128xi32, #tpu.memory_space<vmem>>) semaphore(%arg13 : memref<!tpu.dma_semaphore, #tpu.memory_space<semaphore_mem>>)
    %dma_wait3A_181 = arith.constant 3 : i32
    %dma_wait3A_182 = arith.constant 0 : i32
    %dma_wait3A_183 = tpu.memref_slice %arg9[%dma_wait3A_181, %dma_wait3A_182] : memref<4x128xi32, #tpu.memory_space<vmem>> -> memref<1x128xi32, #tpu.memory_space<vmem>>
    %dma_wait3A_184 = tpu.memref_squeeze %dma_wait3A_183 : memref<1x128xi32, #tpu.memory_space<vmem>> -> memref<128xi32, #tpu.memory_space<vmem>>
    %dma_wait3A_185 = arith.constant 0 : i32
    %dma_wait3A_186 = arith.constant 0 : i32
    %dma_wait3A_187 = tpu.memref_slice %arg5[%dma_wait3A_185, %dma_wait3A_186] : memref<7813x128xf32, #tpu.memory_space<hbm>> -> memref<7813x128xf32, #tpu.memory_space<hbm>>
    tpu.wait_indirect_dma semaphore(%arg13 : memref<!tpu.dma_semaphore, #tpu.memory_space<semaphore_mem>>) src(%dma_wait3A_187 : memref<7813x128xf32, #tpu.memory_space<hbm>>) dst(%arg11 : memref<128x128xf32, #tpu.memory_space<vmem>>)
    "tpu.region"() ({
      %run_scoped3A_188 = tpu.sem_alloc : memref<!tpu.dma_semaphore, #tpu.memory_space<semaphore_mem>>
      %dma_start3A_189 = arith.constant 0 : i32
      %dma_start3A_190 = tpu.memref_slice %arg7[%add3A_173, %dma_start3A_189] : memref<16384x128xf32, #tpu.memory_space<hbm>> -> memref<128x128xf32, #tpu.memory_space<hbm>>
      %dma_start3A_191 = arith.constant 0 : i32
      %dma_start3A_192 = tpu.memref_slice %arg7[%add3A_173, %dma_start3A_191] : memref<16384x128xf32, #tpu.memory_space<hbm>> -> memref<128x128xf32, #tpu.memory_space<hbm>>
      tpu.enqueue_dma source(%arg11 : memref<128x128xf32, #tpu.memory_space<vmem>>) target(%dma_start3A_192 : memref<128x128xf32, #tpu.memory_space<hbm>>) target_semaphore(%run_scoped3A_188 : memref<!tpu.dma_semaphore, #tpu.memory_space<semaphore_mem>>)
      %dma_wait3A_193 = arith.constant 0 : i32
      %dma_wait3A_194 = tpu.memref_slice %arg7[%add3A_173, %dma_wait3A_193] : memref<16384x128xf32, #tpu.memory_space<hbm>> -> memref<128x128xf32, #tpu.memory_space<hbm>>
      %dma_wait3A_195 = arith.constant 0 : i32
      %dma_wait3A_196 = tpu.memref_slice %arg7[%add3A_173, %dma_wait3A_195] : memref<16384x128xf32, #tpu.memory_space<hbm>> -> memref<128x128xf32, #tpu.memory_space<hbm>>
      tpu.wait_dma2 semaphore(%run_scoped3A_188 : memref<!tpu.dma_semaphore, #tpu.memory_space<semaphore_mem>>) src(%arg11 : memref<128x128xf32, #tpu.memory_space<vmem>>) dst(%dma_wait3A_196 : memref<128x128xf32, #tpu.memory_space<hbm>>)
      tpu.yield
    }) : () -> ()
    return
  }
}

module attributes {stable_mosaic.version = 14 : i64} {
  func.func @_compact_body(%arg0: i32, %arg1: memref<1000000x64xf32, #tpu.memory_space<hbm>>, %arg2: memref<5000x128xf32, #tpu.memory_space<vmem>>, %arg3: memref<2x5000x64xf32, #tpu.memory_space<vmem>>, %arg4: memref<2x5000x64xf32, #tpu.memory_space<vmem>>, %arg5: memref<2x2x!tpu.dma_semaphore, #tpu.memory_space<semaphore_mem>>) attributes {dimension_semantics = [#tpu.dimension_semantics<arbitrary>], iteration_bounds = array<i64: 100>, scalar_prefetch = 0 : i64, scratch_operands = 3 : i64, tpu.core_type = #tpu.core_type<tc>, window_params = [{}, {transform_indices = @transform_1, window_bounds = array<i64: 5000, 128>}]} {
    %eq3A = arith.constant 0 : i32
    %eq3A_0 = arith.cmpi eq, %arg0, %eq3A : i32
    %convert_element_type3A = arith.extui %eq3A_0 : i1 to i32
    %cond3A = arith.constant 0 : i32
    %cond3A_1 = arith.cmpi ne, %convert_element_type3A, %cond3A : i32
    scf.if %cond3A_1 {
      %dma_start3A = arith.constant 0 : i32
      %dma_start3A_40 = arith.constant 0 : i32
      %dma_start3A_41 = arith.constant 0 : i32
      %dma_start3A_42 = tpu.memref_slice %arg5[%dma_start3A_40, %dma_start3A_41] : memref<2x2x!tpu.dma_semaphore, #tpu.memory_space<semaphore_mem>> -> memref<1x1x!tpu.dma_semaphore, #tpu.memory_space<semaphore_mem>>
      %dma_start3A_43 = tpu.memref_squeeze %dma_start3A_42 : memref<1x1x!tpu.dma_semaphore, #tpu.memory_space<semaphore_mem>> -> memref<!tpu.dma_semaphore, #tpu.memory_space<semaphore_mem>>
      %dma_start3A_44 = arith.constant 0 : i32
      %dma_start3A_45 = arith.constant 0 : i32
      %dma_start3A_46 = tpu.memref_slice %arg3[%dma_start3A, %dma_start3A_44, %dma_start3A_45] : memref<2x5000x64xf32, #tpu.memory_space<vmem>> -> memref<1x5000x64xf32, #tpu.memory_space<vmem>>
      %dma_start3A_47 = tpu.memref_squeeze %dma_start3A_46 : memref<1x5000x64xf32, #tpu.memory_space<vmem>> -> memref<5000x64xf32, #tpu.memory_space<vmem>>
      %dma_start3A_48 = arith.constant 0 : i32
      %dma_start3A_49 = arith.constant 0 : i32
      %dma_start3A_50 = tpu.memref_slice %arg1[%dma_start3A_48, %dma_start3A_49] : memref<1000000x64xf32, #tpu.memory_space<hbm>> -> memref<5000x64xf32, #tpu.memory_space<hbm>>
      tpu.enqueue_dma source(%dma_start3A_50 : memref<5000x64xf32, #tpu.memory_space<hbm>>) target(%dma_start3A_47 : memref<5000x64xf32, #tpu.memory_space<vmem>>) target_semaphore(%dma_start3A_43 : memref<!tpu.dma_semaphore, #tpu.memory_space<semaphore_mem>>)
      %dma_start3A_51 = arith.constant 0 : i32
      %dma_start3A_52 = arith.constant 1 : i32
      %dma_start3A_53 = arith.constant 0 : i32
      %dma_start3A_54 = tpu.memref_slice %arg5[%dma_start3A_52, %dma_start3A_53] : memref<2x2x!tpu.dma_semaphore, #tpu.memory_space<semaphore_mem>> -> memref<1x1x!tpu.dma_semaphore, #tpu.memory_space<semaphore_mem>>
      %dma_start3A_55 = tpu.memref_squeeze %dma_start3A_54 : memref<1x1x!tpu.dma_semaphore, #tpu.memory_space<semaphore_mem>> -> memref<!tpu.dma_semaphore, #tpu.memory_space<semaphore_mem>>
      %dma_start3A_56 = arith.constant 0 : i32
      %dma_start3A_57 = arith.constant 0 : i32
      %dma_start3A_58 = tpu.memref_slice %arg4[%dma_start3A_51, %dma_start3A_56, %dma_start3A_57] : memref<2x5000x64xf32, #tpu.memory_space<vmem>> -> memref<1x5000x64xf32, #tpu.memory_space<vmem>>
      %dma_start3A_59 = tpu.memref_squeeze %dma_start3A_58 : memref<1x5000x64xf32, #tpu.memory_space<vmem>> -> memref<5000x64xf32, #tpu.memory_space<vmem>>
      %dma_start3A_60 = arith.constant 500000 : i32
      %dma_start3A_61 = arith.constant 0 : i32
      %dma_start3A_62 = tpu.memref_slice %arg1[%dma_start3A_60, %dma_start3A_61] : memref<1000000x64xf32, #tpu.memory_space<hbm>> -> memref<5000x64xf32, #tpu.memory_space<hbm>>
      tpu.enqueue_dma source(%dma_start3A_62 : memref<5000x64xf32, #tpu.memory_space<hbm>>) target(%dma_start3A_59 : memref<5000x64xf32, #tpu.memory_space<vmem>>) target_semaphore(%dma_start3A_55 : memref<!tpu.dma_semaphore, #tpu.memory_space<semaphore_mem>>)
    } else {
    }
    %rem3A = arith.constant 2 : i32
    %rem3A_2 = arith.remsi %arg0, %rem3A : i32
    %add3A = arith.constant 1 : i32
    %add3A_3 = arith.addi %arg0, %add3A : i32
    %lt3A = arith.constant 100 : i32
    %lt3A_4 = arith.cmpi slt, %add3A_3, %lt3A : i32
    %convert_element_type3A_5 = arith.extui %lt3A_4 : i1 to i32
    %cond3A_6 = arith.constant 0 : i32
    %cond3A_7 = arith.cmpi ne, %convert_element_type3A_5, %cond3A_6 : i32
    scf.if %cond3A_7 {
      %add3A_40 = arith.constant 1 : i32
      %add3A_41 = arith.addi %arg0, %add3A_40 : i32
      %add3A_42 = arith.constant 1 : i32
      %add3A_43 = arith.addi %arg0, %add3A_42 : i32
      %rem3A_44 = arith.constant 2 : i32
      %rem3A_45 = arith.remsi %add3A_43, %rem3A_44 : i32
      %mul3A_46 = arith.constant 5000 : i32
      %mul3A_47 = arith.muli %add3A_41, %mul3A_46 : i32
      %dma_start3A = arith.constant 0 : i32
      %dma_start3A_48 = tpu.memref_slice %arg5[%dma_start3A, %rem3A_45] : memref<2x2x!tpu.dma_semaphore, #tpu.memory_space<semaphore_mem>> -> memref<1x1x!tpu.dma_semaphore, #tpu.memory_space<semaphore_mem>>
      %dma_start3A_49 = tpu.memref_squeeze %dma_start3A_48 : memref<1x1x!tpu.dma_semaphore, #tpu.memory_space<semaphore_mem>> -> memref<!tpu.dma_semaphore, #tpu.memory_space<semaphore_mem>>
      %dma_start3A_50 = arith.constant 0 : i32
      %dma_start3A_51 = arith.constant 0 : i32
      %dma_start3A_52 = tpu.memref_slice %arg3[%rem3A_45, %dma_start3A_50, %dma_start3A_51] : memref<2x5000x64xf32, #tpu.memory_space<vmem>> -> memref<1x5000x64xf32, #tpu.memory_space<vmem>>
      %dma_start3A_53 = tpu.memref_squeeze %dma_start3A_52 : memref<1x5000x64xf32, #tpu.memory_space<vmem>> -> memref<5000x64xf32, #tpu.memory_space<vmem>>
      %dma_start3A_54 = arith.constant 0 : i32
      %dma_start3A_55 = tpu.memref_slice %arg1[%mul3A_47, %dma_start3A_54] : memref<1000000x64xf32, #tpu.memory_space<hbm>> -> memref<5000x64xf32, #tpu.memory_space<hbm>>
      tpu.enqueue_dma source(%dma_start3A_55 : memref<5000x64xf32, #tpu.memory_space<hbm>>) target(%dma_start3A_53 : memref<5000x64xf32, #tpu.memory_space<vmem>>) target_semaphore(%dma_start3A_49 : memref<!tpu.dma_semaphore, #tpu.memory_space<semaphore_mem>>)
      %mul3A_56 = arith.constant 5000 : i32
      %mul3A_57 = arith.muli %add3A_41, %mul3A_56 : i32
      %add3A_58 = arith.constant 500000 : i32
      %add3A_59 = arith.addi %add3A_58, %mul3A_57 : i32
      %dma_start3A_60 = arith.constant 1 : i32
      %dma_start3A_61 = tpu.memref_slice %arg5[%dma_start3A_60, %rem3A_45] : memref<2x2x!tpu.dma_semaphore, #tpu.memory_space<semaphore_mem>> -> memref<1x1x!tpu.dma_semaphore, #tpu.memory_space<semaphore_mem>>
      %dma_start3A_62 = tpu.memref_squeeze %dma_start3A_61 : memref<1x1x!tpu.dma_semaphore, #tpu.memory_space<semaphore_mem>> -> memref<!tpu.dma_semaphore, #tpu.memory_space<semaphore_mem>>
      %dma_start3A_63 = arith.constant 0 : i32
      %dma_start3A_64 = arith.constant 0 : i32
      %dma_start3A_65 = tpu.memref_slice %arg4[%rem3A_45, %dma_start3A_63, %dma_start3A_64] : memref<2x5000x64xf32, #tpu.memory_space<vmem>> -> memref<1x5000x64xf32, #tpu.memory_space<vmem>>
      %dma_start3A_66 = tpu.memref_squeeze %dma_start3A_65 : memref<1x5000x64xf32, #tpu.memory_space<vmem>> -> memref<5000x64xf32, #tpu.memory_space<vmem>>
      %dma_start3A_67 = arith.constant 0 : i32
      %dma_start3A_68 = tpu.memref_slice %arg1[%add3A_59, %dma_start3A_67] : memref<1000000x64xf32, #tpu.memory_space<hbm>> -> memref<5000x64xf32, #tpu.memory_space<hbm>>
      tpu.enqueue_dma source(%dma_start3A_68 : memref<5000x64xf32, #tpu.memory_space<hbm>>) target(%dma_start3A_66 : memref<5000x64xf32, #tpu.memory_space<vmem>>) target_semaphore(%dma_start3A_62 : memref<!tpu.dma_semaphore, #tpu.memory_space<semaphore_mem>>)
    } else {
    }
    %mul3A = arith.constant 5000 : i32
    %mul3A_8 = arith.muli %arg0, %mul3A : i32
    %dma_wait3A = arith.constant 0 : i32
    %dma_wait3A_9 = tpu.memref_slice %arg5[%dma_wait3A, %rem3A_2] : memref<2x2x!tpu.dma_semaphore, #tpu.memory_space<semaphore_mem>> -> memref<1x1x!tpu.dma_semaphore, #tpu.memory_space<semaphore_mem>>
    %dma_wait3A_10 = tpu.memref_squeeze %dma_wait3A_9 : memref<1x1x!tpu.dma_semaphore, #tpu.memory_space<semaphore_mem>> -> memref<!tpu.dma_semaphore, #tpu.memory_space<semaphore_mem>>
    %dma_wait3A_11 = arith.constant 0 : i32
    %dma_wait3A_12 = arith.constant 0 : i32
    %dma_wait3A_13 = tpu.memref_slice %arg3[%rem3A_2, %dma_wait3A_11, %dma_wait3A_12] : memref<2x5000x64xf32, #tpu.memory_space<vmem>> -> memref<1x5000x64xf32, #tpu.memory_space<vmem>>
    %dma_wait3A_14 = tpu.memref_squeeze %dma_wait3A_13 : memref<1x5000x64xf32, #tpu.memory_space<vmem>> -> memref<5000x64xf32, #tpu.memory_space<vmem>>
    %dma_wait3A_15 = arith.constant 0 : i32
    %dma_wait3A_16 = tpu.memref_slice %arg1[%mul3A_8, %dma_wait3A_15] : memref<1000000x64xf32, #tpu.memory_space<hbm>> -> memref<5000x64xf32, #tpu.memory_space<hbm>>
    tpu.wait_dma2 semaphore(%dma_wait3A_10 : memref<!tpu.dma_semaphore, #tpu.memory_space<semaphore_mem>>) src(%dma_wait3A_16 : memref<5000x64xf32, #tpu.memory_space<hbm>>) dst(%dma_wait3A_14 : memref<5000x64xf32, #tpu.memory_space<vmem>>)
    %mul3A_17 = arith.constant 5000 : i32
    %mul3A_18 = arith.muli %arg0, %mul3A_17 : i32
    %add3A_19 = arith.constant 500000 : i32
    %add3A_20 = arith.addi %add3A_19, %mul3A_18 : i32
    %dma_wait3A_21 = arith.constant 1 : i32
    %dma_wait3A_22 = tpu.memref_slice %arg5[%dma_wait3A_21, %rem3A_2] : memref<2x2x!tpu.dma_semaphore, #tpu.memory_space<semaphore_mem>> -> memref<1x1x!tpu.dma_semaphore, #tpu.memory_space<semaphore_mem>>
    %dma_wait3A_23 = tpu.memref_squeeze %dma_wait3A_22 : memref<1x1x!tpu.dma_semaphore, #tpu.memory_space<semaphore_mem>> -> memref<!tpu.dma_semaphore, #tpu.memory_space<semaphore_mem>>
    %dma_wait3A_24 = arith.constant 0 : i32
    %dma_wait3A_25 = arith.constant 0 : i32
    %dma_wait3A_26 = tpu.memref_slice %arg4[%rem3A_2, %dma_wait3A_24, %dma_wait3A_25] : memref<2x5000x64xf32, #tpu.memory_space<vmem>> -> memref<1x5000x64xf32, #tpu.memory_space<vmem>>
    %dma_wait3A_27 = tpu.memref_squeeze %dma_wait3A_26 : memref<1x5000x64xf32, #tpu.memory_space<vmem>> -> memref<5000x64xf32, #tpu.memory_space<vmem>>
    %dma_wait3A_28 = arith.constant 0 : i32
    %dma_wait3A_29 = tpu.memref_slice %arg1[%add3A_20, %dma_wait3A_28] : memref<1000000x64xf32, #tpu.memory_space<hbm>> -> memref<5000x64xf32, #tpu.memory_space<hbm>>
    tpu.wait_dma2 semaphore(%dma_wait3A_23 : memref<!tpu.dma_semaphore, #tpu.memory_space<semaphore_mem>>) src(%dma_wait3A_29 : memref<5000x64xf32, #tpu.memory_space<hbm>>) dst(%dma_wait3A_27 : memref<5000x64xf32, #tpu.memory_space<vmem>>)
    %eq3A_30 = arith.constant 0 : i32
    %eq3A_31 = arith.cmpi eq, %rem3A_2, %eq3A_30 : i32
    %convert_element_type3A_32 = arith.extui %eq3A_31 : i1 to i32
    %cond3A_33 = arith.constant 0 : i32
    %cond3A_34 = arith.cmpi ne, %convert_element_type3A_32, %cond3A_33 : i32
    scf.if %cond3A_34 {
      %get3A = arith.constant 0 : index
      %get3A_40 = arith.constant 0 : index
      %get3A_41 = arith.constant 0 : index
      %get3A_42 = vector.load %arg3[%get3A, %get3A_40, %get3A_41] : memref<2x5000x64xf32, #tpu.memory_space<vmem>>, vector<1x5000x64xf32>
      %get3A_43 = vector.shape_cast %get3A_42 : vector<1x5000x64xf32> to vector<5000x64xf32>
      %get3A_44 = arith.constant 0 : index
      %get3A_45 = arith.constant 0 : index
      %get3A_46 = arith.constant 0 : index
      %get3A_47 = vector.load %arg4[%get3A_44, %get3A_45, %get3A_46] : memref<2x5000x64xf32, #tpu.memory_space<vmem>>, vector<1x5000x64xf32>
      %get3A_48 = vector.shape_cast %get3A_47 : vector<1x5000x64xf32> to vector<5000x64xf32>
      %concatenate3A = tpu.concatenate %get3A_43, %get3A_48 in 1 : vector<5000x64xf32>, vector<5000x64xf32> -> vector<5000x128xf32>
      %swap3A = arith.constant 0 : index
      %swap3A_49 = arith.constant 0 : index
      %swap3A_50 = vector.load %arg2[%swap3A, %swap3A_49] : memref<5000x128xf32, #tpu.memory_space<vmem>>, vector<5000x128xf32>
      tpu.vector_store %arg2[%swap3A, %swap3A_49], %concatenate3A {strides = array<i32>} : memref<5000x128xf32, #tpu.memory_space<vmem>>, vector<5000x128xf32>,
    } else {
    }
    %eq3A_35 = arith.constant 1 : i32
    %eq3A_36 = arith.cmpi eq, %rem3A_2, %eq3A_35 : i32
    %convert_element_type3A_37 = arith.extui %eq3A_36 : i1 to i32
    %cond3A_38 = arith.constant 0 : i32
    %cond3A_39 = arith.cmpi ne, %convert_element_type3A_37, %cond3A_38 : i32
    scf.if %cond3A_39 {
      %get3A = arith.constant 1 : index
      %get3A_40 = arith.constant 0 : index
      %get3A_41 = arith.constant 0 : index
      %get3A_42 = vector.load %arg3[%get3A, %get3A_40, %get3A_41] : memref<2x5000x64xf32, #tpu.memory_space<vmem>>, vector<1x5000x64xf32>
      %get3A_43 = vector.shape_cast %get3A_42 : vector<1x5000x64xf32> to vector<5000x64xf32>
      %get3A_44 = arith.constant 1 : index
      %get3A_45 = arith.constant 0 : index
      %get3A_46 = arith.constant 0 : index
      %get3A_47 = vector.load %arg4[%get3A_44, %get3A_45, %get3A_46] : memref<2x5000x64xf32, #tpu.memory_space<vmem>>, vector<1x5000x64xf32>
      %get3A_48 = vector.shape_cast %get3A_47 : vector<1x5000x64xf32> to vector<5000x64xf32>
      %concatenate3A = tpu.concatenate %get3A_43, %get3A_48 in 1 : vector<5000x64xf32>, vector<5000x64xf32> -> vector<5000x128xf32>
      %swap3A = arith.constant 0 : index
      %swap3A_49 = arith.constant 0 : index
      %swap3A_50 = vector.load %arg2[%swap3A, %swap3A_49] : memref<5000x128xf32, #tpu.memory_space<vmem>>, vector<5000x128xf32>
      tpu.vector_store %arg2[%swap3A, %swap3A_49], %concatenate3A {strides = array<i32>} : memref<5000x128xf32, #tpu.memory_space<vmem>>, vector<5000x128xf32>,
    } else {
    }
    return
  }
  func.func @transform_1(%arg0: i32) -> (i32, i32) {
    %c0_i32 = arith.constant 0 : i32
    %c0_i32_0 = arith.constant 0 : i32
    return %arg0, %c0_i32 : i32, i32
  }
}

module attributes {stable_mosaic.version = 14 : i64} {
  func.func @_tc_stats_body(%arg0: i32, %arg1: memref<1x16384xi16, #tpu.memory_space<vmem>>, %arg2: memref<1x16384xi16, #tpu.memory_space<vmem>>, %arg3: memref<16384x65xbf16, #tpu.memory_space<vmem>>, %arg4: memref<1024x1xi16, #tpu.memory_space<vmem>>, %arg5: memref<1024x1xi16, #tpu.memory_space<vmem>>, %arg6: memref<1024x64xf32, #tpu.memory_space<vmem>>) attributes {dimension_semantics = [#tpu.dimension_semantics<arbitrary>], iteration_bounds = array<i64: 16>, scalar_prefetch = 0 : i64, scratch_operands = 0 : i64, tpu.core_type = #tpu.core_type<tc>, window_params = [{pipeline_mode = #tpu.pipeline_mode<synchronous>, transform_indices = @transform_0, window_bounds = array<i64: 1, 16384>}, {pipeline_mode = #tpu.pipeline_mode<synchronous>, transform_indices = @transform_1, window_bounds = array<i64: 1, 16384>}, {pipeline_mode = #tpu.pipeline_mode<synchronous>, transform_indices = @transform_2, window_bounds = array<i64: 16384, 65>}, {transform_indices = @transform_3, window_bounds = array<i64: 1024, 1>}, {transform_indices = @transform_4, window_bounds = array<i64: 1024, 1>}, {transform_indices = @transform_5, window_bounds = array<i64: 1024, 64>}]} {
    %get3A = arith.constant 0 : index
    %get3A_0 = arith.constant 0 : index
    %get3A_1 = vector.load %arg4[%get3A, %get3A_0] : memref<1024x1xi16, #tpu.memory_space<vmem>>, vector<1024x1xi16>
    %get3A_2 = arith.constant 0 : index
    %get3A_3 = arith.constant 0 : index
    %get3A_4 = vector.load %arg5[%get3A_2, %get3A_3] : memref<1024x1xi16, #tpu.memory_space<vmem>>, vector<1024x1xi16>
    %broadcast_in_dim3A = arith.constant 0.000000e+00 : f32
    %broadcast_in_dim3A_5 = vector.broadcast %broadcast_in_dim3A : f32 to vector<1024x65xf32>
    %scan3A = arith.constant 0 : i32
    %scan3A_6 = arith.constant 8 : i32
    %scan3A_7 = arith.addi %scan3A, %scan3A_6 : i32
    %scan3A_8 = arith.constant 1 : i32
    %scan3A_9 = scf.for %scan3A_15 = %scan3A to %scan3A_7 step %scan3A_8 iter_args(%scan3A_16 = %broadcast_in_dim3A_5) -> (vector<1024x65xf32>)  : i32 {
      %mul3A = arith.constant 2048 : i32
      %mul3A_17 = arith.muli %scan3A_15, %mul3A : i32
      %get3A_18 = arith.constant 0 : index
      %get3A_19 = arith.index_cast %mul3A_17 : i32 to index
      %get3A_20 = vector.load %arg1[%get3A_18, %get3A_19] : memref<1x16384xi16, #tpu.memory_space<vmem>>, vector<1x2048xi16>
      %mul3A_21 = arith.constant 2048 : i32
      %mul3A_22 = arith.muli %scan3A_15, %mul3A_21 : i32
      %get3A_23 = arith.constant 0 : index
      %get3A_24 = arith.index_cast %mul3A_22 : i32 to index
      %get3A_25 = vector.load %arg2[%get3A_23, %get3A_24] : memref<1x16384xi16, #tpu.memory_space<vmem>>, vector<1x2048xi16>
      %mul3A_26 = arith.constant 2048 : i32
      %mul3A_27 = arith.muli %scan3A_15, %mul3A_26 : i32
      %get3A_28 = arith.index_cast %mul3A_27 : i32 to index
      %get3A_29 = arith.constant 0 : index
      %get3A_30 = vector.load %arg3[%get3A_28, %get3A_29] : memref<16384x65xbf16, #tpu.memory_space<vmem>>, vector<2048x65xbf16>
      %eq3A = vector.broadcast %get3A_1 : vector<1024x1xi16> to vector<1024x2048xi16>
      %eq3A_31 = vector.broadcast %get3A_20 : vector<1x2048xi16> to vector<1024x2048xi16>
      %eq3A_32 = arith.cmpi eq, %eq3A, %eq3A_31 : vector<1024x2048xi16>
      %eq3A_33 = vector.broadcast %get3A_4 : vector<1024x1xi16> to vector<1024x2048xi16>
      %eq3A_34 = vector.broadcast %get3A_25 : vector<1x2048xi16> to vector<1024x2048xi16>
      %eq3A_35 = arith.cmpi eq, %eq3A_33, %eq3A_34 : vector<1024x2048xi16>
      %and3A = arith.andi %eq3A_32, %eq3A_35 : vector<1024x2048xi1>
      %jit3A = arith.constant 1.000000e+00 : bf16
      %jit3A_36 = arith.constant 0.000000e+00 : bf16
      %broadcast_in_dim3A_37 = vector.broadcast %jit3A : bf16 to vector<1024x2048xbf16>
      %broadcast_in_dim3A_38 = vector.broadcast %jit3A_36 : bf16 to vector<1024x2048xbf16>
      %select_n3A = arith.select %and3A, %broadcast_in_dim3A_37, %broadcast_in_dim3A_38 : vector<1024x2048xi1>, vector<1024x2048xbf16>
      %dot_general3A = arith.constant dense<0.000000e+00> : vector<1024x65xf32>
      %dot_general3A_39 = tpu.matmul %select_n3A, %get3A_30, %dot_general3A {dimension_numbers = #tpu.dot_dimension_numbers<[1], [0], [0], [1], [0, 0, 1, 1], [], []>, transpose_lhs_hint = false} : vector<1024x2048xbf16>, vector<2048x65xbf16>, vector<1024x65xf32> -> vector<1024x65xf32>
      %add3A = arith.addf %scan3A_16, %dot_general3A_39 : vector<1024x65xf32>
      scf.yield %add3A : vector<1024x65xf32>
    }
    %scan3A_10 = arith.constant 8 : i32
    %slice3A = vector.extract_strided_slice %scan3A_9 {offsets = [0, 0], sizes = [1024, 64], strides = [1, 1]} : vector<1024x65xf32> to vector<1024x64xf32>
    %slice3A_11 = vector.extract_strided_slice %scan3A_9 {offsets = [0, 64], sizes = [1024, 1], strides = [1, 1]} : vector<1024x65xf32> to vector<1024x1xf32>
    %div3A = vector.broadcast %slice3A_11 : vector<1024x1xf32> to vector<1024x64xf32>
    %div3A_12 = arith.divf %slice3A, %div3A : vector<1024x64xf32>
    %swap3A = arith.constant 0 : index
    %swap3A_13 = arith.constant 0 : index
    %swap3A_14 = vector.load %arg6[%swap3A, %swap3A_13] : memref<1024x64xf32, #tpu.memory_space<vmem>>, vector<1024x64xf32>
    tpu.vector_store %arg6[%swap3A, %swap3A_13], %div3A_12 {strides = array<i32>} : memref<1024x64xf32, #tpu.memory_space<vmem>>, vector<1024x64xf32>,
    return
  }
  func.func @transform_0(%arg0: i32) -> (i32, i32) {
    %c0_i32 = arith.constant 0 : i32
    %c0_i32_0 = arith.constant 0 : i32
    %c0_i32_1 = arith.constant 0 : i32
    return %c0_i32, %c0_i32_0 : i32, i32
  }
  func.func @transform_1(%arg0: i32) -> (i32, i32) {
    %c0_i32 = arith.constant 0 : i32
    %c0_i32_0 = arith.constant 0 : i32
    %c0_i32_1 = arith.constant 0 : i32
    return %c0_i32, %c0_i32_0 : i32, i32
  }
  func.func @transform_2(%arg0: i32) -> (i32, i32) {
    %c0_i32 = arith.constant 0 : i32
    %c0_i32_0 = arith.constant 0 : i32
    %c0_i32_1 = arith.constant 0 : i32
    return %c0_i32, %c0_i32_0 : i32, i32
  }
  func.func @transform_3(%arg0: i32) -> (i32, i32) {
    %c0_i32 = arith.constant 0 : i32
    %c0_i32_0 = arith.constant 0 : i32
    return %arg0, %c0_i32 : i32, i32
  }
  func.func @transform_4(%arg0: i32) -> (i32, i32) {
    %c0_i32 = arith.constant 0 : i32
    %c0_i32_0 = arith.constant 0 : i32
    return %arg0, %c0_i32 : i32, i32
  }
  func.func @transform_5(%arg0: i32) -> (i32, i32) {
    %c0_i32 = arith.constant 0 : i32
    %c0_i32_0 = arith.constant 0 : i32
    return %arg0, %c0_i32 : i32, i32
  }
}

module attributes {stable_mosaic.version = 14 : i64} {
  func.func @_tc_final_body(%arg0: i32, %arg1: memref<4096x64xf32, #tpu.memory_space<vmem>>, %arg2: memref<4096x64xf32, #tpu.memory_space<vmem>>, %arg3: memref<4096x128xf32, #tpu.memory_space<vmem>>, %arg4: memref<4096x128xf32, #tpu.memory_space<vmem>>, %arg5: memref<4096x1xi32, #tpu.memory_space<vmem>>, %arg6: memref<4096x1xi32, #tpu.memory_space<vmem>>, %arg7: memref<1x1xf32, #tpu.memory_space<vmem>>) attributes {dimension_semantics = [#tpu.dimension_semantics<arbitrary>], iteration_bounds = array<i64: 4>, scalar_prefetch = 0 : i64, scratch_operands = 0 : i64, tpu.core_type = #tpu.core_type<tc>, window_params = [{transform_indices = @transform_0, window_bounds = array<i64: 4096, 64>}, {transform_indices = @transform_1, window_bounds = array<i64: 4096, 64>}, {transform_indices = @transform_2, window_bounds = array<i64: 4096, 128>}, {transform_indices = @transform_3, window_bounds = array<i64: 4096, 128>}, {transform_indices = @transform_4, window_bounds = array<i64: 4096, 1>}, {transform_indices = @transform_5, window_bounds = array<i64: 4096, 1>}, {pipeline_mode = #tpu.pipeline_mode<synchronous>, transform_indices = @transform_6, window_bounds = array<i64: 1, 1>}]} {
    %get3A = arith.constant 0 : index
    %get3A_0 = arith.constant 0 : index
    %get3A_1 = vector.load %arg3[%get3A, %get3A_0] : memref<4096x128xf32, #tpu.memory_space<vmem>>, vector<4096x128xf32>
    %get3A_2 = arith.constant 0 : index
    %get3A_3 = arith.constant 0 : index
    %get3A_4 = vector.load %arg5[%get3A_2, %get3A_3] : memref<4096x1xi32, #tpu.memory_space<vmem>>, vector<4096x1xi32>
    %eq3A = arith.constant 0 : i32
    %eq3A_5 = vector.broadcast %eq3A : i32 to vector<4096x1xi32>
    %eq3A_6 = arith.cmpi eq, %get3A_4, %eq3A_5 : vector<4096x1xi32>
    %slice3A = vector.extract_strided_slice %get3A_1 {offsets = [0, 0], sizes = [4096, 64], strides = [1, 1]} : vector<4096x128xf32> to vector<4096x64xf32>
    %slice3A_7 = vector.extract_strided_slice %get3A_1 {offsets = [0, 64], sizes = [4096, 64], strides = [1, 1]} : vector<4096x128xf32> to vector<4096x64xf32>
    %broadcast_in_dim3A = vector.shape_cast %eq3A_6 : vector<4096x1xi1> to vector<4096x1xi1>
    %broadcast_in_dim3A_8 = vector.broadcast %broadcast_in_dim3A : vector<4096x1xi1> to vector<4096x64xi1>
    %select_n3A = arith.select %broadcast_in_dim3A_8, %slice3A, %slice3A_7 : vector<4096x64xi1>, vector<4096x64xf32>
    %mul3A = arith.constant 0.949999988 : f32
    %mul3A_9 = vector.broadcast %mul3A : f32 to vector<4096x64xf32>
    %mul3A_10 = arith.mulf %mul3A_9, %select_n3A : vector<4096x64xf32>
    %get3A_11 = arith.constant 0 : index
    %get3A_12 = arith.constant 0 : index
    %get3A_13 = vector.load %arg2[%get3A_11, %get3A_12] : memref<4096x64xf32, #tpu.memory_space<vmem>>, vector<4096x64xf32>
    %mul3A_14 = arith.constant 5.000000e-02 : f32
    %mul3A_15 = vector.broadcast %mul3A_14 : f32 to vector<4096x64xf32>
    %mul3A_16 = arith.mulf %mul3A_15, %get3A_13 : vector<4096x64xf32>
    %add3A = arith.addf %mul3A_10, %mul3A_16 : vector<4096x64xf32>
    %get3A_17 = arith.constant 0 : index
    %get3A_18 = arith.constant 0 : index
    %get3A_19 = vector.load %arg1[%get3A_17, %get3A_18] : memref<4096x64xf32, #tpu.memory_space<vmem>>, vector<4096x64xf32>
    %sub3A = arith.subf %get3A_19, %add3A : vector<4096x64xf32>
    %mul3A_20 = arith.mulf %sub3A, %sub3A : vector<4096x64xf32>
    %reduce_sum3A = arith.constant dense<0.000000e+00> : vector<4096xf32>
    %reduce_sum3A_21 = vector.multi_reduction <add>, %mul3A_20, %reduce_sum3A [1] : vector<4096x64xf32> to vector<4096xf32>
    %broadcast_in_dim3A_22 = vector.shape_cast %reduce_sum3A_21 : vector<4096xf32> to vector<4096x1xf32>
    %iota3A = tpu.iota {dimensions = array<i32: 1>} : vector<4096x128xi32>
    %get3A_23 = arith.constant 0 : index
    %get3A_24 = arith.constant 0 : index
    %get3A_25 = vector.load %arg6[%get3A_23, %get3A_24] : memref<4096x1xi32, #tpu.memory_space<vmem>>, vector<4096x1xi32>
    %eq3A_26 = vector.broadcast %get3A_25 : vector<4096x1xi32> to vector<4096x128xi32>
    %eq3A_27 = arith.cmpi eq, %eq3A_26, %iota3A : vector<4096x128xi32>
    %get3A_28 = arith.constant 0 : index
    %get3A_29 = arith.constant 0 : index
    %get3A_30 = vector.load %arg4[%get3A_28, %get3A_29] : memref<4096x128xf32, #tpu.memory_space<vmem>>, vector<4096x128xf32>
    %jit3A = arith.constant 0.000000e+00 : f32
    %broadcast_in_dim3A_31 = vector.broadcast %jit3A : f32 to vector<4096x128xf32>
    %select_n3A_32 = arith.select %eq3A_27, %get3A_30, %broadcast_in_dim3A_31 : vector<4096x128xi1>, vector<4096x128xf32>
    %reduce_sum3A_33 = arith.constant dense<0.000000e+00> : vector<4096xf32>
    %reduce_sum3A_34 = vector.multi_reduction <add>, %select_n3A_32, %reduce_sum3A_33 [1] : vector<4096x128xf32> to vector<4096xf32>
    %broadcast_in_dim3A_35 = vector.shape_cast %reduce_sum3A_34 : vector<4096xf32> to vector<4096x1xf32>
    %mul3A_36 = arith.mulf %broadcast_in_dim3A_22, %broadcast_in_dim3A_35 : vector<4096x1xf32>
    %reduce_sum3A_37 = vector.shape_cast %mul3A_36 : vector<4096x1xf32> to vector<1x4096x1xf32>
    %reduce_sum3A_38 = arith.constant dense<0.000000e+00> : vector<1xf32>
    %reduce_sum3A_39 = vector.multi_reduction <add>, %reduce_sum3A_37, %reduce_sum3A_38 [1, 2] : vector<1x4096x1xf32> to vector<1xf32>
    %reduce_sum3A_40 = vector.shape_cast %reduce_sum3A_39 : vector<1xf32> to vector<1x1x1xf32>
    %reduce_sum3A_41 = vector.extract %reduce_sum3A_40[0, 0, 0] : f32 from vector<1x1x1xf32>
    %mul3A_42 = arith.constant 6.10351563E-5 : f32
    %mul3A_43 = arith.mulf %reduce_sum3A_41, %mul3A_42 : f32
    %eq3A_44 = arith.constant 0 : i32
    %eq3A_45 = arith.cmpi eq, %arg0, %eq3A_44 : i32
    %convert_element_type3A = arith.extui %eq3A_45 : i1 to i32
    %cond3A = arith.constant 0 : i32
    %cond3A_46 = arith.cmpi ne, %convert_element_type3A, %cond3A : i32
    scf.if %cond3A_46 {
      %broadcast_in_dim3A_54 = arith.constant 0.000000e+00 : f32
      %broadcast_in_dim3A_55 = vector.broadcast %broadcast_in_dim3A_54 : f32 to vector<1x1xf32>
      %swap3A_56 = arith.constant 0 : index
      %swap3A_57 = arith.constant 0 : index
      %swap3A_58 = vector.load %arg7[%swap3A_56, %swap3A_57] : memref<1x1xf32, #tpu.memory_space<vmem>>, vector<1x1xf32>
      tpu.vector_store %arg7[%swap3A_56, %swap3A_57], %broadcast_in_dim3A_55 {strides = array<i32>} : memref<1x1xf32, #tpu.memory_space<vmem>>, vector<1x1xf32>,
    } else {
    }
    %get3A_47 = arith.constant 0 : index
    %get3A_48 = arith.constant 0 : index
    %get3A_49 = vector.load %arg7[%get3A_47, %get3A_48] : memref<1x1xf32, #tpu.memory_space<vmem>>, vector<1x1xf32>
    %broadcast_in_dim3A_50 = vector.broadcast %mul3A_43 : f32 to vector<1x1xf32>
    %add3A_51 = arith.addf %get3A_49, %broadcast_in_dim3A_50 : vector<1x1xf32>
    %swap3A = arith.constant 0 : index
    %swap3A_52 = arith.constant 0 : index
    %swap3A_53 = vector.load %arg7[%swap3A, %swap3A_52] : memref<1x1xf32, #tpu.memory_space<vmem>>, vector<1x1xf32>
    tpu.vector_store %arg7[%swap3A, %swap3A_52], %add3A_51 {strides = array<i32>} : memref<1x1xf32, #tpu.memory_space<vmem>>, vector<1x1xf32>,
    return
  }
  func.func @transform_0(%arg0: i32) -> (i32, i32) {
    %c0_i32 = arith.constant 0 : i32
    %c0_i32_0 = arith.constant 0 : i32
    return %arg0, %c0_i32 : i32, i32
  }
  func.func @transform_1(%arg0: i32) -> (i32, i32) {
    %c0_i32 = arith.constant 0 : i32
    %c0_i32_0 = arith.constant 0 : i32
    return %arg0, %c0_i32 : i32, i32
  }
  func.func @transform_2(%arg0: i32) -> (i32, i32) {
    %c0_i32 = arith.constant 0 : i32
    %c0_i32_0 = arith.constant 0 : i32
    return %arg0, %c0_i32 : i32, i32
  }
  func.func @transform_3(%arg0: i32) -> (i32, i32) {
    %c0_i32 = arith.constant 0 : i32
    %c0_i32_0 = arith.constant 0 : i32
    return %arg0, %c0_i32 : i32, i32
  }
  func.func @transform_4(%arg0: i32) -> (i32, i32) {
    %c0_i32 = arith.constant 0 : i32
    %c0_i32_0 = arith.constant 0 : i32
    return %arg0, %c0_i32 : i32, i32
  }
  func.func @transform_5(%arg0: i32) -> (i32, i32) {
    %c0_i32 = arith.constant 0 : i32
    %c0_i32_0 = arith.constant 0 : i32
    return %arg0, %c0_i32 : i32, i32
  }
  func.func @transform_6(%arg0: i32) -> (i32, i32) {
    %c0_i32 = arith.constant 0 : i32
    %c0_i32_0 = arith.constant 0 : i32
    %c0_i32_1 = arith.constant 0 : i32
    return %c0_i32, %c0_i32_0 : i32, i32
  }
}

</mosaic_0001>

<sc_bundles>
// kernel: kernel.6.cloned.1.call-start
scs
__scs_entry_jumppad:
0x0: {  	(pc) =	sbr.rel $0x88, $3  }
0x1: {  	(tag) =	ssettag $0x0;
	lr =	simm.s32 $0x1  }
0x2: {  	[smem:$0x3F9D] =	sst lr;
	_ =	strace $0xD0000000  }
0x3: {  	_ = 	snop  }
0x4: {  	_ = 	snop  }
0x5: {  	_ = 	snop  }
0x6: {  	_ = 	snop  }
0x7: {  	_ = 	snop  }
__scs_overlays_trampoline_lowered:
0x8: {  	[smem:$0x3FAC] =	sst s0  }
0x9: {  	[smem:$0x3FAD] =	sst s1  }
0xa: {  	[smem:$0x3FAE] =	sst s2  }
0xb: {  	[smem:$0x3FAF] =	sst s3  }
0xc: {  	[smem:$0x3FB0] =	sst s4  }
0xd: {  	[smem:$0x3FB1] =	sst s5  }
0xe: {  	[smem:$0x3FB2] =	sst s6  }
0xf: {  	[smem:$0x3FB3] =	sst s7  }
0x10: {  	[smem:$0x3FB4] =	sst s8  }
0x11: {  	[smem:$0x3FB5] =	sst s9;
	s0 =	simm.s32 @!p0 $0x0  }
0x12: {  	s1 =	sld [smem:$0x3F9B];
	s0 =	simm.s32 @p0 $0x1  }
0x13: {  	[smem:$0x3FB6] =	sst s0;
	s0 =	simm.s32 @!p1 $0x0  }
0x14: {  	s2 =	sld [smem:$0x3F9A];
	s0 =	simm.s32 @p1 $0x1  }
0x15: {  	[smem:$0x3FB7] =	sst s0;
	s0 =	simm.s32 @!p2 $0x0  }
0x16: {  	s3 =	sld [smem:$0x3FDB];
	s0 =	simm.s32 @p2 $0x1  }
0x17: {  	s4 =	simm.s32 $0x1BF5;
	[smem:$0x3FB9] =	sst s0  }
0x18: {  	s0 =	sld [smem:$0x3F9C];
	_ =	swait.ge [sflag:s4], $0x0  }
0x19: {  	s7 =	sld [smem:$0x3F9D]  }
0x1a: {  	s8 =	sadd.s32 $0xFFFFE003, lr  }
0x1b: {  	s9 =	sadd.s32 $0xFFFFFEF7, lr;
	s5 =	simm.s32 $0xFFFFFFFF;
	p2 =	slt.u32 s8, $0xFFFFF086  }
0x1c: {  	p1 =	slt.u32 s9, $0xF7A;
	s5 =	simm.s32 @!p2 $0x0  }
0x1d: {  	s5 =	simm.s32 @p1 $0x1;
	p0 =	seq.s32 s7, s2  }
0x1e: {  	s7 =	smul.u32 @!p0 $0xF7A, s2;
	p2 =	seq.s32 @!p0 s5, $0x0  }
0x1f: {  	s9 =	smul.u32 $0xF7A, s1;
	s8 =	simm.s32 @!p0 $0x1BF5;
	p2 =	por !p2, p0  }
0x20: {  	[sflag:s8] =	ssyncset.s32 @!p0 $0xFFFFF086;
	s6 =	sadd.s32 @!p0 s3, s7;
	s7 =	simm.s32 @!p0 $0x108  }
0x21: {  	s3 =	sadd.s32 s3, s9;
	s6 =	sadd.s32 @!p0 $0x88, s6;
	s7 =	simm.s32 @p2 $0x1082  }
0x22: {  	[simem:s7], [sflag:s8] =	dma.local @!p0 [hbm:s6], $0xF7A  }
0x23: {  	s9 =	sor.u32 $0xD0000000, s2;
	s6 =	simm.s32 $0x108;
	_ =	swait.ge @!p0 [sflag:s8], $0x0  }
0x24: {  	s3 =	sadd.s32 $0x88, s3;
	s6 =	simm.s32 @!p1 $0x1082;
	[sflag:s4] =	ssyncset.s32 $0xFFFFF086  }
0x25: {  	[simem:s6], [sflag:s4] =	dma.local [hbm:s3], $0xF7A  }
0x26: {  	[smem:$0x3F9D] =	sst s1;
	(tag) =	ssettag s2;
	_ =	strace s9  }
0x27: {  	s1 =	sld [smem:$0x3FAD]  }
0x28: {  	s2 =	sld [smem:$0x3FAE]  }
0x29: {  	s4 =	sld [smem:$0x3FB0]  }
0x2a: {  	p0 =	seq.s32 s5, $0x0;
	s5 =	sld [smem:$0x3FB1]  }
0x2b: {  	s6 =	sld [smem:$0x3FB2]  }
0x2c: {  	s7 =	sld [smem:$0x3FB3]  }
0x2d: {  	s3 =	simm.s32 $0x108;
	s8 =	sld [smem:$0x3FB4]  }
0x2e: {  	s3 =	simm.s32 @!p0 $0x1082;
	s9 =	sld [smem:$0x3FB5]  }
0x2f: {  	lr =	sadd.s32 s0, s3;
	s0 =	sld [smem:$0x3FAC]  }
0x30: {  	s3 =	sld [smem:$0x3FAF]  }
0x31: {  	[smem:$0x3FB8] =	sst s10  }
0x32: {  	s10 =	sld [smem:$0x3FB6];
	_ =	sdelay $0x3  }
0x33: {  	p0 =	seq.s32 s10, $0x1;
	s10 =	sld [smem:$0x3FB8];
	_ =	sdelay $0x3  }
0x34: {  	[smem:$0x3FB8] =	sst s10  }
0x35: {  	s10 =	sld [smem:$0x3FB7];
	_ =	sdelay $0x3  }
0x36: {  	p1 =	seq.s32 s10, $0x1;
	s10 =	sld [smem:$0x3FB8];
	_ =	sdelay $0x3  }
0x37: {  	[smem:$0x3FB8] =	sst s10  }
0x38: {  	s10 =	sld [smem:$0x3FB9]  }
0x39: {  	_ = 	snop;
	(pc) =	sbr.ind lr, $3  }
0x3a: {  	_ = 	snop  }
0x3b: {  	_ = 	snop  }
0x3c: {  	p2 =	seq.s32 s10, $0x1;
	s10 =	sld [smem:$0x3FB8]  }
0x3d: {  	_ =	shalt  }
0x3e: {  	_ =	shalt  }
0x3f: {  	_ =	shalt  }
0x40: {  	_ =	shalt  }
0x41: {  	_ =	shalt  }
0x42: {  	_ =	shalt  }
0x43: {  	_ =	shalt  }
0x44: {  	_ =	shalt  }
0x45: {  	_ =	shalt  }
0x46: {  	_ =	shalt  }
0x47: {  	_ =	shalt  }
0x48: {  	_ =	shalt  }
0x49: {  	_ =	shalt  }
0x4a: {  	_ =	shalt  }
0x4b: {  	_ =	shalt  }
0x4c: {  	_ =	shalt  }
0x4d: {  	_ =	shalt  }
0x4e: {  	_ =	shalt  }
0x4f: {  	_ =	shalt  }
0x50: {  	_ =	shalt  }
0x51: {  	_ =	shalt  }
0x52: {  	_ =	shalt  }
0x53: {  	_ =	shalt  }
0x54: {  	_ =	shalt  }
0x55: {  	_ =	shalt  }
0x56: {  	_ =	shalt  }
0x57: {  	_ =	shalt  }
0x58: {  	_ =	shalt  }
0x59: {  	_ =	shalt  }
0x5a: {  	_ =	shalt  }
0x5b: {  	_ =	shalt  }
0x5c: {  	_ =	shalt  }
0x5d: {  	_ =	shalt  }
0x5e: {  	_ =	shalt  }
0x5f: {  	_ =	shalt  }
0x60: {  	_ =	shalt  }
0x61: {  	_ =	shalt  }
0x62: {  	_ =	shalt  }
0x63: {  	_ =	shalt  }
0x64: {  	_ =	shalt  }
0x65: {  	_ =	shalt  }
0x66: {  	_ =	shalt  }
0x67: {  	_ =	shalt  }
0x68: {  	_ =	shalt  }
0x69: {  	_ =	shalt  }
0x6a: {  	_ =	shalt  }
0x6b: {  	_ =	shalt  }
0x6c: {  	_ =	shalt  }
0x6d: {  	_ =	shalt  }
0x6e: {  	_ =	shalt  }
0x6f: {  	_ =	shalt  }
0x70: {  	_ =	shalt  }
0x71: {  	_ =	shalt  }
0x72: {  	_ =	shalt  }
0x73: {  	_ =	shalt  }
0x74: {  	_ =	shalt  }
0x75: {  	_ =	shalt  }
0x76: {  	_ =	shalt  }
0x77: {  	_ =	shalt  }
0x78: {  	_ =	shalt  }
0x79: {  	_ =	shalt  }
0x7a: {  	_ =	shalt  }
0x7b: {  	_ =	shalt  }
0x7c: {  	_ =	shalt  }
0x7d: {  	_ =	shalt  }
0x7e: {  	_ =	shalt  }
0x7f: {  	_ =	shalt  }
0x80: {  	_ =	shalt  }
0x81: {  	_ =	shalt  }
0x82: {  	_ =	shalt  }
0x83: {  	_ =	shalt  }
0x84: {  	_ =	shalt  }
0x85: {  	_ =	shalt  }
0x86: {  	_ =	shalt  }
0x87: {  	_ =	shalt  }
.Lfunc_end0:
.L_simem_size_0:
called_computation_lowered:
.L_overlay_start_0:
0x88: {  	s2 =	sld [smem:$0x3FD9]  }
0x89: {  	s3 =	sld [smem:$0x3FFE];
	_ =	sdelay $0x1  }
0x8a: {  	s1 =	srdreg.scid  }
0x8b: {  	s0 =	sand.u32 $0x1, s1  }
0x8c: {  	s16 =	sshll.u32 s0, $0xA;
	s2 =	sadd.s32 s3, s2  }
0x8d: {  	s2 =	sadd.s32 s2, s16  }
0x8e: {  	[smem:$0x3FC4] =	sst s2  }
0x8f: {  	_ = 	snop  }
0x90: {  	(tm) =	ssettm $0x1  }
0x91: {  	s17 =	sld [smem:$0x3FFB];
	_ =	sdelay $0x3  }
0x92: {  	_ =	strace s17  }
0x93: {  	s2 =	sld [smem:$0x3FFC];
	_ =	sdelay $0x3  }
0x94: {  	_ =	strace s2  }
0x95: {  	s2 =	sld [smem:$0x3FFD];
	_ =	sdelay $0x3  }
0x96: {  	_ =	strace s2  }
0x97: {  	_ =	strace $0x8FFFFFFF  }
0x98: {  	s18 =	sld [smem:$0x3FDB];
	_ =	sdelay $0x1  }
0x99: {  	s19 =	simm.s32 $_scs_section_size  }
0x9a: {  	s4 =	simm.s32 $_size__tile_overlayer_lowered;
	s5 =	simm.s32 $_tile_overlayer_lowered  }
0x9b: {  	s22 =	simm.s32 $0x1BFF;
	s21 =	sshll.u32 s5, $0x1;
	s2 =	sadd.s32 s19, s18  }
0x9c: {  	s6 =	simm.s32 $0x0;
	s20 =	sshll.u32 s4, $0x1;
	s4 =	sadd.s32 s21, s2  }
0x9d: {  	[timem:s6], [sflag:s22] =	dma.local [hbm:s4], s20  }
0x9e: {  	_ =	swait.ge [sflag:s22], s20  }
0x9f: {  	s3 =	ssub.s32 $0x0, s20;
	[sflag:s22] =	ssyncset.done $0x0  }
0xa0: {  	[sflag:s22] =	ssyncadd.s32 s3;
	_ =	sdelay $0x1  }
0xa1: {  	s23 =	simm.s32 $0x1B8B  }
0xa2: {  	_ =	swait.ge [sflag:s23], $0x1  }
0xa3: {  	[sflag:s23] =	ssyncset.done $0x0  }
0xa4: {  	s25 =	simm.s32 $0x1B8E;
	s24 =	sld [smem:$0x3FFE];
	[sflag:s23] =	ssyncadd.s32 $0xFFFFFFFF  }
0xa5: {  	s26 =	simm.s32 $execute0_lowered;
	[smem:$0x3FD2] =	sst s25  }
0xa6: {  	s4 =	sshll.u32 s26, $0x1;
	_ =	strace $0x80000046;
	[dreg:$0x1] =	wrdreg $0xFFFFFFFF  }
0xa7: {  	s28 =	simm.s32 $_size_execute0_lowered;
	s2 =	sadd.s32 s2, s4;
	[dreg:$0x0] =	wrdreg $0x0  }
0xa8: {  	s4 =	sshll.u32 s28, $0x1;
	[dreg:$0x2] =	wrdreg s2  }
0xa9: {  	[dreg:$0x3] =	wrdreg s4  }
0xaa: {  	[dreg:$0x4] =	wrdreg $0xC0  }
0xab: {  	_ =	task [dreg:s6], $0x5FFFF  }
0xac: {  	[dreg:$0x1] =	wrdreg $0xFFFFFFFF  }
0xad: {  	[dreg:$0x0] =	wrdreg $0x60  }
0xae: {  	[dreg:$0x2] =	wrdreg s24  }
0xaf: {  	[dreg:$0x3] =	wrdreg $0x9  }
0xb0: {  	_ =	task.clear_ibuf [dreg:s6], $0x4FFFF;
	_ =	strace $0x90000046  }
0xb1: {  	s29 =	simm.s32 $0x9;
	_ =	strace $0x80000048  }
0xb2: {  	_ =	swait.ge [sflag:s29], $0x1  }
0xb3: {  	[sflag:s29] =	ssyncadd.s32 $0xFFFFFFFF  }
0xb4: {  	_ =	strace $0x90000048  }
0xb5: {  	_ =	sfence  }
0xb6: {  	s30 =	sld [smem:$0x0];
	_ =	sdelay $0x2  }
0xb7: {  	s31 =	sshll.u32 s1, $0xD;
	s1 =	sshrl.u32 s1, $0x2  }
0xb8: {  	s3 =	sand.u32 $0x4000, s31;
	s1 =	sadd.s32 s1, s30  }
0xb9: {  	s0 =	sor.u32 s3, s0;
	s1 =	sshll.u32 s1, $0x11  }
0xba: {  	s0 =	sor.u32 s1, s0  }
0xbb: {  	s0 =	sadd.s32 $0x8F2B, s0  }
0xbc: {  	[sflag:s0] =	ssyncadd.remote.s32 $0x1  }
0xbd: {  	_ =	sfence.sel $0xFFFF  }
0xbe: {  	[dreg:$0x0] =	wrdreg $0xFFFFFFFF;
	(pc) =	sbr.abs _section_cstart, $3  }
0xbf: {  	[dreg:$0x1] =	wrdreg $0xFFFFFFFF  }
0xc0: {  	_ =	task.clear_ibuf [dreg:s6], $0x2FFFF;
	_ =	strace $0x9FFFFFFF  }
0xc1: {  	(tm) =	ssettm $0x7FFFFFFF  }
tec
execute0_lowered:
.L_overlay_start_1:
0x0: {  	(tag) =	ssettag $0x1  }
0x1: {  	s1 =	srdreg.scid  }
0x2: {  	s0 =	stileid.u32;
	s29 =	sand.u32 $0x1, s1  }
0x3: {  	s3 =	sshll.u32 s0, $0x7;
	s4 =	sshll.u32 s29, $0x6  }
0x4: {  	s23 =	rddreg [dreg:$0x0];
	s2 =	simm.s32 $0x0;
	s3 =	sor.u32 s4, s3  }
0x5: {  	[smem:$0x7FF] =	sst s2;
	s5 =	sadd.s32 s3, s23  }
0x6: {  	_ =	strace $0x80000047;
	s3 =	simm.s32 $0x3;
	s4 =	sadd.s32 $0x3600, s5  }
0x7: {  	[tilespmem:s2], [sflag:$0x3] =	stream.linear.gather [hbm4b:s4+s2], $0x200, $0x38;
	[tilespmem:$0x14400] =	vst v63  }
0x8: {  	_ =	swait.ge [sflag:s3], $0x200  }
0x9: {  	[sflag:s3] =	ssyncset.done $0x0  }
0xa: {  	s6 =	simm.s32 $0x200;
	s5 =	sadd.s32 $0x2E00, s5;
	[sflag:s3] =	ssyncadd.s32 $0xFFFFFE00  }
0xb: {  	[tilespmem:s6], [sflag:$0x3] =	stream.linear.gather [hbm4b:s5+s2], $0x200, $0x38;
	[tilespmem:$0x14400] =	vst v63  }
0xc: {  	_ =	swait.ge [sflag:s3], $0x200  }
0xd: {  	s8 =	simm.s32 $0x80;
	[sflag:s3] =	ssyncset.done $0x0  }
0xe: {  	s9 =	simm.s32 $0x400;
	s7 =	sadd.s32 $0xF46200, s23;
	[sflag:s3] =	ssyncadd.s32 $0xFFFFFE00  }
0xf: {  	[tilespmem:s9], [sflag:$0x1] =	stream.indirect.gather [hbm4b:s7+s8], $0x80, s2, s8, $0xb8;
	[tilespmem:$0x14400] =	vst v63  }
0x10: {  	s10 =	simm.s32 $0x4400  }
0x11: {  	[tilespmem:s10], [sflag:$0x1] =	stream.indirect.gather [hbm4b:s7+s8], $0x80, s8, s8, $0xb8;
	[tilespmem:$0x14400] =	vst v63  }
0x12: {  	s11 =	simm.s32 $0x100;
	s12 =	simm.s32 $0x8400  }
0x13: {  	[tilespmem:s12], [sflag:$0x1] =	stream.indirect.gather [hbm4b:s7+s8], $0x80, s11, s8, $0xb8;
	[tilespmem:$0x14400] =	vst v63  }
0x14: {  	s13 =	simm.s32 $0x180;
	s14 =	simm.s32 $0xC400;
	s15 =	simm.s32 $0x1  }
0x15: {  	[tilespmem:s14], [sflag:$0x1] =	stream.indirect.gather [hbm4b:s7+s8], $0x80, s13, s8, $0xb8;
	[tilespmem:$0x14400] =	vst v63  }
0x16: {  	_ =	swait.ge [sflag:s15], $0x4000  }
0x17: {  	[sflag:s15] =	ssyncset.done $0x0  }
0x18: {  	[sflag:s15] =	ssyncadd.s32 $0xFFFFC000  }
0x19: {  	_ =	swait.ge [sflag:s15], $0x4000  }
0x1a: {  	[sflag:s15] =	ssyncset.done $0x0  }
0x1b: {  	[sflag:s15] =	ssyncadd.s32 $0xFFFFC000  }
0x1c: {  	_ =	swait.ge [sflag:s15], $0x4000  }
0x1d: {  	[sflag:s15] =	ssyncset.done $0x0  }
0x1e: {  	[sflag:s15] =	ssyncadd.s32 $0xFFFFC000  }
0x1f: {  	s16 =	sshll.u32 s0, $0xE;
	s17 =	sshll.u32 s29, $0xD;
	_ =	swait.ge [sflag:s15], $0x4000  }
0x20: {  	s19 =	sadd.s32 $0x22800, s23;
	s24 =	sor.u32 s17, s16;
	[sflag:s15] =	ssyncset.done $0x0  }
0x21: {  	s16 =	sadd.s32 s19, s24;
	[sflag:s15] =	ssyncadd.s32 $0xFFFFC000  }
0x22: {  	[hbm4b:s16+s2] =	stream.linear.scatter [tilespmem:s9], [sflag:$0x3], $0x4000, $0x38;
	[tilespmem:$0x14400] =	vst v63  }
0x23: {  	_ =	swait.ge [sflag:s3], $0x4000  }
0x24: {  	s25 =	sor.u32 $0x800, s24;
	[sflag:s3] =	ssyncset.done $0x0  }
0x25: {  	s17 =	sadd.s32 s19, s25;
	[sflag:s3] =	ssyncadd.s32 $0xFFFFC000  }
0x26: {  	[hbm4b:s17+s2] =	stream.linear.scatter [tilespmem:s10], [sflag:$0x3], $0x4000, $0x38;
	[tilespmem:$0x14400] =	vst v63  }
0x27: {  	_ =	swait.ge [sflag:s3], $0x4000  }
0x28: {  	s28 =	sor.u32 $0x1000, s24;
	[sflag:s3] =	ssyncset.done $0x0  }
0x29: {  	s18 =	sadd.s32 s19, s28;
	[sflag:s3] =	ssyncadd.s32 $0xFFFFC000  }
0x2a: {  	[hbm4b:s18+s2] =	stream.linear.scatter [tilespmem:s12], [sflag:$0x3], $0x4000, $0x38;
	[tilespmem:$0x14400] =	vst v63  }
0x2b: {  	_ =	swait.ge [sflag:s3], $0x4000  }
0x2c: {  	s30 =	sor.u32 $0x1800, s24;
	[sflag:s3] =	ssyncset.done $0x0  }
0x2d: {  	s19 =	sadd.s32 s19, s30;
	[sflag:s3] =	ssyncadd.s32 $0xFFFFC000  }
0x2e: {  	[hbm4b:s19+s2] =	stream.linear.scatter [tilespmem:s14], [sflag:$0x3], $0x4000, $0x38;
	[tilespmem:$0x14400] =	vst v63  }
0x2f: {  	_ =	swait.ge [sflag:s3], $0x4000  }
0x30: {  	s21 =	simm.s32 $0x10400;
	[sflag:s3] =	ssyncset.done $0x0  }
0x31: {  	s22 =	simm.s32 $0x2;
	s20 =	sadd.s32 $0x3E00, s23;
	[sflag:s3] =	ssyncadd.s32 $0xFFFFC000  }
0x32: {  	[tilespmem:s21], [sflag:$0x2] =	stream.indirect.gather [hbm4b:s20+s8], $0x80, s6, s8, $0xb8;
	[tilespmem:$0x14400] =	vst v63  }
0x33: {  	_ =	swait.ge [sflag:s22], $0x4000  }
0x34: {  	s31 =	sadd.s32 $0x62800, s23;
	[sflag:s22] =	ssyncset.done $0x0  }
0x35: {  	s23 =	sadd.s32 s31, s24;
	[sflag:s22] =	ssyncadd.s32 $0xFFFFC000  }
0x36: {  	[hbm4b:s23+s2] =	stream.linear.scatter [tilespmem:s21], [sflag:$0x3], $0x4000, $0x38;
	[tilespmem:$0x14400] =	vst v63  }
0x37: {  	_ =	swait.ge [sflag:s3], $0x4000  }
0x38: {  	[sflag:s3] =	ssyncset.done $0x0  }
0x39: {  	s24 =	simm.s32 $0x280;
	[sflag:s3] =	ssyncadd.s32 $0xFFFFC000  }
0x3a: {  	[tilespmem:s21], [sflag:$0x2] =	stream.indirect.gather [hbm4b:s20+s8], $0x80, s24, s8, $0xb8;
	[tilespmem:$0x14400] =	vst v63  }
0x3b: {  	_ =	swait.ge [sflag:s22], $0x4000  }
0x3c: {  	[sflag:s22] =	ssyncset.done $0x0  }
0x3d: {  	s25 =	sadd.s32 s31, s25;
	[sflag:s22] =	ssyncadd.s32 $0xFFFFC000  }
0x3e: {  	[hbm4b:s25+s2] =	stream.linear.scatter [tilespmem:s21], [sflag:$0x3], $0x4000, $0x38;
	[tilespmem:$0x14400] =	vst v63  }
0x3f: {  	_ =	swait.ge [sflag:s3], $0x4000  }
0x40: {  	[sflag:s3] =	ssyncset.done $0x0  }
0x41: {  	s26 =	simm.s32 $0x300;
	[sflag:s3] =	ssyncadd.s32 $0xFFFFC000  }
0x42: {  	[tilespmem:s21], [sflag:$0x2] =	stream.indirect.gather [hbm4b:s20+s8], $0x80, s26, s8, $0xb8;
	[tilespmem:$0x14400] =	vst v63  }
0x43: {  	_ =	swait.ge [sflag:s22], $0x4000  }
0x44: {  	[sflag:s22] =	ssyncset.done $0x0  }
0x45: {  	s1 =	ssub.s32 $0x2, s29;
	s28 =	sadd.s32 s31, s28;
	[sflag:s22] =	ssyncadd.s32 $0xFFFFC000  }
0x46: {  	[hbm4b:s28+s2] =	stream.linear.scatter [tilespmem:s21], [sflag:$0x3], $0x4000, $0x38;
	[tilespmem:$0x14400] =	vst v63  }
0x47: {  	s0 =	sshrl.u32 s1, $0x1;
	_ =	swait.ge [sflag:s3], $0x4000  }
0x48: {  	s0 =	ssub.s32 s1, s0;
	[sflag:s3] =	ssyncset.done $0x0  }
0x49: {  	s29 =	simm.s32 $0x380;
	s0 =	smax.u32 s0, $0x1;
	[sflag:s3] =	ssyncadd.s32 $0xFFFFC000  }
0x4a: {  	[tilespmem:s21], [sflag:$0x2] =	stream.indirect.gather [hbm4b:s20+s8], $0x80, s29, s8, $0xb8;
	[tilespmem:$0x14400] =	vst v63  }
0x4b: {  	p0 =	sne.s32 s0, $0x1;
	_ =	swait.ge [sflag:s22], $0x4000  }
.Ltmp0:
0x4c: {  	[sflag:s22] =	ssyncset.done $0x0;
	(pc) =	sbr.rel @!p0 .LBB2_2-.Ltmp0, $4  }
0x4d: {  	s30 =	sadd.s32 s31, s30;
	[sflag:s22] =	ssyncadd.s32 $0xFFFFC000  }
0x4e: {  	[hbm4b:s30+s2] =	stream.linear.scatter [tilespmem:s21], [sflag:$0x3], $0x4000, $0x38;
	[tilespmem:$0x14400] =	vst v63  }
0x4f: {  	_ =	swait.ge [sflag:s3], $0x4000  }
0x50: {  	s31 =	sadd.s32 $0xFFFFFFFF, s0;
	[sflag:s3] =	ssyncset.done $0x0  }
.LBB2_1:
0x51: {  	p0 =	sne.s32 s31, $0x1;
	s31 =	sadd.s32 $0xFFFFFFFF, s31;
	[sflag:s3] =	ssyncadd.s32 $0xFFFFC000  }
0x52: {  	[tilespmem:s2], [sflag:$0x3] =	stream.linear.gather [hbm4b:s4+s2], $0x200, $0x38;
	[tilespmem:$0x14400] =	vst v63  }
0x53: {  	_ =	swait.ge [sflag:s3], $0x200  }
0x54: {  	[sflag:s3] =	ssyncset.done $0x0  }
0x55: {  	[sflag:s3] =	ssyncadd.s32 $0xFFFFFE00  }
0x56: {  	[tilespmem:s6], [sflag:$0x3] =	stream.linear.gather [hbm4b:s5+s2], $0x200, $0x38;
	[tilespmem:$0x14400] =	vst v63  }
0x57: {  	_ =	swait.ge [sflag:s3], $0x200  }
0x58: {  	[sflag:s3] =	ssyncset.done $0x0  }
0x59: {  	[sflag:s3] =	ssyncadd.s32 $0xFFFFFE00  }
0x5a: {  	[tilespmem:s9], [sflag:$0x1] =	stream.indirect.gather [hbm4b:s7+s8], $0x80, s2, s8, $0xb8;
	[tilespmem:$0x14400] =	vst v63  }
0x5b: {  	_ = 	snop  }
0x5c: {  	[tilespmem:s10], [sflag:$0x1] =	stream.indirect.gather [hbm4b:s7+s8], $0x80, s8, s8, $0xb8;
	[tilespmem:$0x14400] =	vst v63  }
0x5d: {  	_ = 	snop  }
0x5e: {  	[tilespmem:s12], [sflag:$0x1] =	stream.indirect.gather [hbm4b:s7+s8], $0x80, s11, s8, $0xb8;
	[tilespmem:$0x14400] =	vst v63  }
0x5f: {  	_ = 	snop  }
0x60: {  	[tilespmem:s14], [sflag:$0x1] =	stream.indirect.gather [hbm4b:s7+s8], $0x80, s13, s8, $0xb8;
	[tilespmem:$0x14400] =	vst v63  }
0x61: {  	_ =	swait.ge [sflag:s15], $0x4000  }
0x62: {  	[sflag:s15] =	ssyncset.done $0x0  }
0x63: {  	[sflag:s15] =	ssyncadd.s32 $0xFFFFC000  }
0x64: {  	_ =	swait.ge [sflag:s15], $0x4000  }
0x65: {  	[sflag:s15] =	ssyncset.done $0x0  }
0x66: {  	[sflag:s15] =	ssyncadd.s32 $0xFFFFC000  }
0x67: {  	_ =	swait.ge [sflag:s15], $0x4000  }
0x68: {  	[sflag:s15] =	ssyncset.done $0x0  }
0x69: {  	[sflag:s15] =	ssyncadd.s32 $0xFFFFC000  }
0x6a: {  	_ =	swait.ge [sflag:s15], $0x4000  }
0x6b: {  	[sflag:s15] =	ssyncset.done $0x0  }
0x6c: {  	[sflag:s15] =	ssyncadd.s32 $0xFFFFC000  }
0x6d: {  	[hbm4b:s16+s2] =	stream.linear.scatter [tilespmem:s9], [sflag:$0x3], $0x4000, $0x38;
	[tilespmem:$0x14400] =	vst v63  }
0x6e: {  	_ =	swait.ge [sflag:s3], $0x4000  }
0x6f: {  	[sflag:s3] =	ssyncset.done $0x0  }
0x70: {  	[sflag:s3] =	ssyncadd.s32 $0xFFFFC000  }
0x71: {  	[hbm4b:s17+s2] =	stream.linear.scatter [tilespmem:s10], [sflag:$0x3], $0x4000, $0x38;
	[tilespmem:$0x14400] =	vst v63  }
0x72: {  	_ =	swait.ge [sflag:s3], $0x4000  }
0x73: {  	[sflag:s3] =	ssyncset.done $0x0  }
0x74: {  	[sflag:s3] =	ssyncadd.s32 $0xFFFFC000  }
0x75: {  	[hbm4b:s18+s2] =	stream.linear.scatter [tilespmem:s12], [sflag:$0x3], $0x4000, $0x38;
	[tilespmem:$0x14400] =	vst v63  }
0x76: {  	_ =	swait.ge [sflag:s3], $0x4000  }
0x77: {  	[sflag:s3] =	ssyncset.done $0x0  }
0x78: {  	[sflag:s3] =	ssyncadd.s32 $0xFFFFC000  }
0x79: {  	[hbm4b:s19+s2] =	stream.linear.scatter [tilespmem:s14], [sflag:$0x3], $0x4000, $0x38;
	[tilespmem:$0x14400] =	vst v63  }
0x7a: {  	_ =	swait.ge [sflag:s3], $0x4000  }
0x7b: {  	[sflag:s3] =	ssyncset.done $0x0  }
0x7c: {  	[sflag:s3] =	ssyncadd.s32 $0xFFFFC000  }
0x7d: {  	[tilespmem:s21], [sflag:$0x2] =	stream.indirect.gather [hbm4b:s20+s8], $0x80, s6, s8, $0xb8;
	[tilespmem:$0x14400] =	vst v63  }
0x7e: {  	_ =	swait.ge [sflag:s22], $0x4000  }
0x7f: {  	[sflag:s22] =	ssyncset.done $0x0  }
0x80: {  	[sflag:s22] =	ssyncadd.s32 $0xFFFFC000  }
0x81: {  	[hbm4b:s23+s2] =	stream.linear.scatter [tilespmem:s21], [sflag:$0x3], $0x4000, $0x38;
	[tilespmem:$0x14400] =	vst v63  }
0x82: {  	_ =	swait.ge [sflag:s3], $0x4000  }
0x83: {  	[sflag:s3] =	ssyncset.done $0x0  }
0x84: {  	[sflag:s3] =	ssyncadd.s32 $0xFFFFC000  }
0x85: {  	[tilespmem:s21], [sflag:$0x2] =	stream.indirect.gather [hbm4b:s20+s8], $0x80, s24, s8, $0xb8;
	[tilespmem:$0x14400] =	vst v63  }
0x86: {  	_ =	swait.ge [sflag:s22], $0x4000  }
0x87: {  	[sflag:s22] =	ssyncset.done $0x0  }
0x88: {  	[sflag:s22] =	ssyncadd.s32 $0xFFFFC000  }
0x89: {  	[hbm4b:s25+s2] =	stream.linear.scatter [tilespmem:s21], [sflag:$0x3], $0x4000, $0x38;
	[tilespmem:$0x14400] =	vst v63  }
0x8a: {  	_ =	swait.ge [sflag:s3], $0x4000  }
0x8b: {  	[sflag:s3] =	ssyncset.done $0x0  }
0x8c: {  	[sflag:s3] =	ssyncadd.s32 $0xFFFFC000  }
0x8d: {  	[tilespmem:s21], [sflag:$0x2] =	stream.indirect.gather [hbm4b:s20+s8], $0x80, s26, s8, $0xb8;
	[tilespmem:$0x14400] =	vst v63  }
0x8e: {  	_ =	swait.ge [sflag:s22], $0x4000  }
0x8f: {  	[sflag:s22] =	ssyncset.done $0x0  }
0x90: {  	[sflag:s22] =	ssyncadd.s32 $0xFFFFC000  }
0x91: {  	[hbm4b:s28+s2] =	stream.linear.scatter [tilespmem:s21], [sflag:$0x3], $0x4000, $0x38;
	[tilespmem:$0x14400] =	vst v63  }
0x92: {  	_ =	swait.ge [sflag:s3], $0x4000  }
0x93: {  	[sflag:s3] =	ssyncset.done $0x0  }
0x94: {  	[sflag:s3] =	ssyncadd.s32 $0xFFFFC000  }
0x95: {  	[tilespmem:s21], [sflag:$0x2] =	stream.indirect.gather [hbm4b:s20+s8], $0x80, s29, s8, $0xb8;
	[tilespmem:$0x14400] =	vst v63  }
0x96: {  	_ =	swait.ge [sflag:s22], $0x4000  }
.Ltmp1:
0x97: {  	[sflag:s22] =	ssyncset.done $0x0;
	(pc) =	sbr.rel @p0 .LBB2_1-.Ltmp1, $4  }
0x98: {  	[sflag:s22] =	ssyncadd.s32 $0xFFFFC000  }
0x99: {  	[hbm4b:s30+s2] =	stream.linear.scatter [tilespmem:s21], [sflag:$0x3], $0x4000, $0x38;
	[tilespmem:$0x14400] =	vst v63  }
0x9a: {  	_ =	swait.ge [sflag:s3], $0x4000  }
0x9b: {  	[sflag:s3] =	ssyncset.done $0x0  }
.LBB2_2:
0x9c: {  	[sflag:s3] =	ssyncadd.s32 $0xFFFFC000  }
0x9d: {  	_ =	sfence.sel $0x180000  }
0x9e: {  	[bflag:$0x0] =	sbarrier.arrive $0xFFFF  }
0x9f: {  	_ =	strace $0x90000047  }
0xa0: {  	s0 =	stileid.u32;
	[bflag:$0x2] =	sbarrier.arrive $0xFFFF  }
0xa1: {  	p0 =	sne.s32 s0, $0x0;
	s0 =	rddreg [dreg:$0x1]  }
0xa2: {  	s0 =	sadd.s32 @!p0 $0x100000, s0  }
0xa3: {  	[sflag:s0] =	ssyncadd.tile.s32 @!p0 $0x1;
	_ =	shalt  }
.Lfunc_end2:
_tile_overlayer_lowered:
.L_overlay_start_2:
0xa4: {  	(tag) =	ssettag $0x2  }
0xa5: {  	s0 =	rddreg [dreg:$0x0];
	s2 =	stileid.u32  }
0xa6: {  	s1 =	rddreg [dreg:$0x1];
	p0 =	sne.s32 s2, $0x0  }
0xa7: {  	s3 =	rddreg [dreg:$0x2];
	[bflag:$0x3] =	sbarrier.arrive $0xFFFF;
	s2 =	simm.s32 @!p0 $0x1C03  }
0xa8: {  	[timem:s3], [sflag:s2] =	dma.local @!p0 [hbm:s0], s1  }
0xa9: {  	s0 =	simm.s32 @!p0 $0x3  }
0xaa: {  	_ =	swait.ge @!p0 [sflag:s0], s1  }
0xab: {  	s1 =	ssub.s32 @!p0 $0x0, s1;
	[sflag:s0] =	ssyncset.done @!p0 $0x0  }
0xac: {  	[sflag:s0] =	ssyncadd.s32 @!p0 s1  }
0xad: {  	[bflag:$0x3] =	sbarrier.arrive $0xFFFF  }
0xae: {  	_ =	shalt  }

</sc_bundles>
